<compile_context>
chip_gen: v7x
topology: tpu7x:2x2x1
jax: 0.10.2.dev20260603
libtpu: 0.0.44.dev20260713+nightly
codegen_flags: <defaults>
</compile_context>

<pallas_src>
import functools

import jax
import jax.numpy as jnp
from jax import lax
from jax.experimental import pallas as pl
from jax.experimental.pallas import tpu as pltpu
from jax.experimental.pallas import tpu_sc as plsc

N_NODES = 10000
N_EDGES = 320000
DIM = 128

NC, NS = 2, 16
NW = NC * NS
NP = 10240
ROWS_PER_SUB = NP // NS

K = 125
EROWS = N_EDGES // K
AGG_C = EROWS // NW
DEG_C = EROWS // NW
DEG_L = 128


_mesh = plsc.VectorSubcoreMesh(core_axis_name="c", subcore_axis_name="s")


@functools.partial(
    pl.kernel,
    out_type=jax.ShapeDtypeStruct((NC * NP, DEG_L), jnp.float32),
    mesh=_mesh,
    scratch_types=[
        pltpu.VMEM((DEG_C, K), jnp.int32),
        pltpu.VMEM((K, DEG_L), jnp.float32),
        pltpu.VMEM_SHARED((NP, DEG_L), jnp.float32),
        pltpu.SemaphoreType.DMA,
    ],
)
def _sc_deg(dst_hbm, zeros_hbm, ones_hbm, out_hbm, dst_v, ones_v, acc, sem):
    cid = lax.axis_index("c")
    sid = lax.axis_index("s")
    t = cid * NS + sid

    pltpu.sync_copy(zeros_hbm, acc.at[pl.ds(sid * ROWS_PER_SUB, ROWS_PER_SUB)])
    pltpu.sync_copy(ones_hbm, ones_v)
    pltpu.sync_copy(dst_hbm.at[pl.ds(t * DEG_C, DEG_C)], dst_v)
    plsc.subcore_barrier()

    def body(j, carry):
        pltpu.async_copy(ones_v, acc.at[dst_v.at[j]], sem, add=True)

        @pl.when(j >= 4)
        def _():
            pltpu.make_async_copy(ones_v, acc.at[dst_v.at[0]], sem).wait()

        return carry

    lax.fori_loop(0, DEG_C, body, 0)

    def drain(j, carry):
        pltpu.make_async_copy(ones_v, acc.at[dst_v.at[0]], sem).wait()
        return carry

    lax.fori_loop(0, 4, drain, 0)
    plsc.subcore_barrier()

    pltpu.sync_copy(
        acc.at[pl.ds(sid * ROWS_PER_SUB, ROWS_PER_SUB)],
        out_hbm.at[pl.ds(cid * NP + sid * ROWS_PER_SUB, ROWS_PER_SUB)],
    )


@functools.partial(
    pl.kernel,
    out_type=jax.ShapeDtypeStruct((NC * NP, DIM), jnp.float32),
    mesh=_mesh,
    scratch_types=[
        pltpu.VMEM((AGG_C, K), jnp.int32),
        pltpu.VMEM((AGG_C, K), jnp.int32),
        pltpu.VMEM((K, DIM), jnp.float32),
        pltpu.VMEM_SHARED((NP, DIM), jnp.float32),
        pltpu.SemaphoreType.DMA,
        pltpu.SemaphoreType.DMA,
    ],
)
def _sc_agg(y_hbm, src_hbm, dst_hbm, zeros_hbm, out_hbm,
            src_v, dst_v, buf, acc, sem_g, sem_s):
    cid = lax.axis_index("c")
    sid = lax.axis_index("s")
    t = cid * NS + sid

    pltpu.sync_copy(zeros_hbm, acc.at[pl.ds(sid * ROWS_PER_SUB, ROWS_PER_SUB)])
    pltpu.sync_copy(src_hbm.at[pl.ds(t * AGG_C, AGG_C)], src_v)
    pltpu.sync_copy(dst_hbm.at[pl.ds(t * AGG_C, AGG_C)], dst_v)
    plsc.subcore_barrier()

    def body(j, carry):
        pltpu.make_async_copy(y_hbm.at[src_v.at[j]], buf, sem_g).wait()
        pltpu.sync_copy(buf, acc.at[dst_v.at[j]], add=True)

        @pl.when(j + 1 < AGG_C)
        def _():
            pltpu.async_copy(y_hbm.at[src_v.at[j + 1]], buf, sem_g)

        return carry

    pltpu.async_copy(y_hbm.at[src_v.at[0]], buf, sem_g)
    lax.fori_loop(0, AGG_C, body, 0)
    plsc.subcore_barrier()

    pltpu.sync_copy(
        acc.at[pl.ds(sid * ROWS_PER_SUB, ROWS_PER_SUB)],
        out_hbm.at[pl.ds(cid * NP + sid * ROWS_PER_SUB, ROWS_PER_SUB)],
    )


_BR = 1024


def _tc1_body(h_ref, w_ref, b_ref, deg_ref, y_ref, dinv_ref):
    deg = deg_ref[...]
    dsum = deg[:, 0:1] + deg[:, 1:2] + 1.0
    dinv = lax.rsqrt(dsum)
    x = jnp.dot(h_ref[...], w_ref[...], preferred_element_type=jnp.float32)
    y_ref[...] = (x + b_ref[...]) * dinv
    dinv_ref[...] = dinv


def _tc2_body(s_ref, y_ref, dinv_ref, w_ref, b_ref, y2_ref):
    dinv = dinv_ref[...]
    s = s_ref[0] + s_ref[1] + y_ref[...]
    h1 = jnp.maximum(dinv * s, 0.0)
    x2 = jnp.dot(h1, w_ref[...], preferred_element_type=jnp.float32)
    y2_ref[...] = (x2 + b_ref[...]) * dinv


def _tc3_body(s_ref, y_ref, dinv_ref, h0_ref, out_ref):
    s = s_ref[0] + s_ref[1] + y_ref[...]
    h2 = jnp.maximum(dinv_ref[...] * s, 0.0)
    out_ref[...] = jnp.maximum(h2 + h0_ref[...], 0.0)


_row_spec = pl.BlockSpec((_BR, DIM), lambda i: (i, 0))
_w_spec = pl.BlockSpec((DIM, DIM), lambda i: (0, 0))
_b_spec = pl.BlockSpec((1, DIM), lambda i: (0, 0))
_dinv_spec = pl.BlockSpec((_BR, 1), lambda i: (i, 0))
_s_spec = pl.BlockSpec((NC, _BR, DIM), lambda i: (0, i, 0))
_grid = (NP // _BR,)

_tc1 = pl.pallas_call(
    _tc1_body,
    grid=_grid,
    in_specs=[_row_spec, _w_spec, _b_spec, pl.BlockSpec((_BR, 2), lambda i: (i, 0))],
    out_specs=[_row_spec, _dinv_spec],
    out_shape=[
        jax.ShapeDtypeStruct((NP, DIM), jnp.float32),
        jax.ShapeDtypeStruct((NP, 1), jnp.float32),
    ],
)

_tc2 = pl.pallas_call(
    _tc2_body,
    grid=_grid,
    in_specs=[_s_spec, _row_spec, _dinv_spec, _w_spec, _b_spec],
    out_specs=_row_spec,
    out_shape=jax.ShapeDtypeStruct((NP, DIM), jnp.float32),
)

_tc3 = pl.pallas_call(
    _tc3_body,
    grid=_grid,
    in_specs=[_s_spec, _row_spec, _dinv_spec, _row_spec],
    out_specs=_row_spec,
    out_shape=jax.ShapeDtypeStruct((NP, DIM), jnp.float32),
)


def kernel(g, h, W1, b1, W2, b2):
    src2d = g[0].reshape(EROWS, K)
    dst2d = g[1].reshape(EROWS, K)
    h_pad = jnp.pad(h, ((0, NP - N_NODES), (0, 0)))
    zeros_agg = jnp.zeros((ROWS_PER_SUB, DIM), jnp.float32)
    zeros_deg = jnp.zeros((ROWS_PER_SUB, DEG_L), jnp.float32)
    ones_deg = jnp.ones((K, DEG_L), jnp.float32)
    b1r = b1.reshape(1, DIM)
    b2r = b2.reshape(1, DIM)

    deg_raw = _sc_deg(dst2d, zeros_deg, ones_deg)
    deg_pair = deg_raw.reshape(NC, NP, DEG_L)[:, :, 0].transpose(1, 0)

    y1, dinv = _tc1(h_pad, W1, b1r, deg_pair)
    S1 = _sc_agg(y1, src2d, dst2d, zeros_agg).reshape(NC, NP, DIM)
    y2 = _tc2(S1, y1, dinv, W2, b2r)
    S2 = _sc_agg(y2, src2d, dst2d, zeros_agg).reshape(NC, NP, DIM)
    out = _tc3(S2, y2, dinv, h_pad)
    return out[:N_NODES]

# --- scband reference (transcript-rebuilt; emitter-appended) ---
"""Pipeline reference for scband-gnnskip-block-67310727462924 (READ-ONLY COPY).

The authoritative reference and input builder live on the scoring server;
editing this copy changes nothing except your own understanding.
"""

import jax, jax.numpy as jnp
import numpy as np

N_NODES = 10000
N_EDGES = 320000
DIM = 128

def setup_inputs(seed: int = 0) -> dict:
    key = jax.random.key(seed)
    k1, k2, k3, k4 = jax.random.split(key, 4)
    g = jax.random.randint(k1, (2, N_EDGES), 0, N_NODES, dtype=jnp.int32)
    h = jax.random.normal(k2, (N_NODES, DIM), dtype=jnp.float32)
    W1 = jax.random.normal(k3, (DIM, DIM), dtype=jnp.float32) * 0.05
    b1 = jnp.zeros((DIM,), dtype=jnp.float32)
    W2 = jax.random.normal(k4, (DIM, DIM), dtype=jnp.float32) * 0.05
    b2 = jnp.zeros((DIM,), dtype=jnp.float32)
    return {"g": g, "h": h, "W1": W1, "b1": b1, "W2": W2, "b2": b2}

def _gcn_layer(h, src, dst, W, b, n_nodes):
    # GCNConv with symmetric normalization and implicit self-loops
    x = h @ W + b
    deg = jnp.zeros((n_nodes,), dtype=x.dtype).at[dst].add(1.0) + 1.0  # +1 for self-loop
    dinv = jax.lax.rsqrt(deg)
    coef = (dinv[src] * dinv[dst])[:, None]
    msg = jnp.take(x, src, axis=0) * coef
    agg = jnp.zeros_like(x).at[dst].add(msg)
    agg = agg + x * (dinv * dinv)[:, None]  # self-loop contribution
    return agg

def reference(g, h, W1, b1, W2, b2):
    src, dst = g[0], g[1]
    n_nodes = h.shape[0]
    h0 = h
    # GeneralLayer 1: gnn conv -> act (dropout=0, no bn, no l2norm)
    h1 = jax.nn.relu(_gcn_layer(h, src, dst, W1, b1, n_nodes))
    # GeneralLayer 2
    h2 = jax.nn.relu(_gcn_layer(h1, src, dst, W2, b2, n_nodes))
    # skipsum residual + final act
    out = jax.nn.relu(h2 + h0)
    return out

if __name__ == "__main__":
    import jax
    _d = setup_inputs()
    print(jax.jit(kernel)(*tuple(_d.values())))

</pallas_src>

<mosaic_0001>
#map = affine_map<(d0, d1) -> (0, 0)>
module attributes {stable_mosaic.version = 14 : i64} {
  func.func @_sc_agg(%arg0: i32, %arg1: i32, %arg2: memref<10240x128xf32, #tpu.memory_space<hbm>>, %arg3: memref<2560x125xi32, #tpu.memory_space<hbm>>, %arg4: memref<2560x125xi32, #tpu.memory_space<hbm>>, %arg5: memref<640x128xf32, #tpu.memory_space<hbm>>, %arg6: memref<20480x128xf32, #tpu.memory_space<hbm>>, %arg7: memref<80x125xi32, #tpu.memory_space<vmem>>, %arg8: memref<80x125xi32, #tpu.memory_space<vmem>>, %arg9: memref<125x128xf32, #tpu.memory_space<vmem>>, %arg10: memref<10240x128xf32, #tpu.memory_space<vmem_shared>>, %arg11: memref<!tpu.dma_semaphore, #tpu.memory_space<semaphore_mem>>, %arg12: memref<!tpu.dma_semaphore, #tpu.memory_space<semaphore_mem>>) attributes {dimension_semantics = [#tpu.dimension_semantics<core_parallel>, #tpu.dimension_semantics<subcore_parallel>], iteration_bounds = array<i64: 2, 16>, scalar_prefetch = 0 : i64, scratch_operands = 6 : i64, tpu.core_type = #tpu.core_type<sc_vector_subcore>, window_params = [{transform_indices = #map}, {transform_indices = #map}, {transform_indices = #map}, {transform_indices = #map}, {transform_indices = #map}]} {
    %mul3A = arith.constant 16 : i32
    %mul3A_0 = arith.muli %arg0, %mul3A : i32
    %add3A = arith.addi %mul3A_0, %arg1 : i32
    %mul3A_1 = arith.constant 640 : i32
    %mul3A_2 = arith.muli %arg1, %mul3A_1 : i32
    "tpu.region"() ({
      %run_scoped3A = tpu.sem_alloc : memref<!tpu.dma_semaphore, #tpu.memory_space<semaphore_mem>>
      %dma_start3A_26 = arith.constant 0 : i32
      %dma_start3A_27 = tpu.memref_slice %arg10[%mul3A_2, %dma_start3A_26] : memref<10240x128xf32, #tpu.memory_space<vmem_shared>> -> memref<640x128xf32, #tpu.memory_space<vmem_shared>>
      tpu.enqueue_dma source(%arg5 : memref<640x128xf32, #tpu.memory_space<hbm>>) target(%dma_start3A_27 : memref<640x128xf32, #tpu.memory_space<vmem_shared>>) target_semaphore(%run_scoped3A : memref<!tpu.dma_semaphore, #tpu.memory_space<semaphore_mem>>)
      %dma_wait3A = arith.constant 0 : i32
      %dma_wait3A_28 = tpu.memref_slice %arg10[%mul3A_2, %dma_wait3A] : memref<10240x128xf32, #tpu.memory_space<vmem_shared>> -> memref<640x128xf32, #tpu.memory_space<vmem_shared>>
      tpu.wait_dma2 semaphore(%run_scoped3A : memref<!tpu.dma_semaphore, #tpu.memory_space<semaphore_mem>>) src(%arg5 : memref<640x128xf32, #tpu.memory_space<hbm>>) dst(%dma_wait3A_28 : memref<640x128xf32, #tpu.memory_space<vmem_shared>>)
      tpu.yield
    }) : () -> ()
    %mul3A_3 = arith.constant 80 : i32
    %mul3A_4 = arith.muli %add3A, %mul3A_3 : i32
    "tpu.region"() ({
      %run_scoped3A = tpu.sem_alloc : memref<!tpu.dma_semaphore, #tpu.memory_space<semaphore_mem>>
      %dma_start3A_26 = arith.constant 0 : i32
      %dma_start3A_27 = tpu.memref_slice %arg3[%mul3A_4, %dma_start3A_26] : memref<2560x125xi32, #tpu.memory_space<hbm>> -> memref<80x125xi32, #tpu.memory_space<hbm>>
      %dma_start3A_28 = arith.constant 0 : i32
      %dma_start3A_29 = tpu.memref_slice %arg3[%mul3A_4, %dma_start3A_28] : memref<2560x125xi32, #tpu.memory_space<hbm>> -> memref<80x125xi32, #tpu.memory_space<hbm>>
      tpu.enqueue_dma source(%dma_start3A_29 : memref<80x125xi32, #tpu.memory_space<hbm>>) target(%arg7 : memref<80x125xi32, #tpu.memory_space<vmem>>) target_semaphore(%run_scoped3A : memref<!tpu.dma_semaphore, #tpu.memory_space<semaphore_mem>>)
      %dma_wait3A = arith.constant 0 : i32
      %dma_wait3A_30 = tpu.memref_slice %arg3[%mul3A_4, %dma_wait3A] : memref<2560x125xi32, #tpu.memory_space<hbm>> -> memref<80x125xi32, #tpu.memory_space<hbm>>
      %dma_wait3A_31 = arith.constant 0 : i32
      %dma_wait3A_32 = tpu.memref_slice %arg3[%mul3A_4, %dma_wait3A_31] : memref<2560x125xi32, #tpu.memory_space<hbm>> -> memref<80x125xi32, #tpu.memory_space<hbm>>
      tpu.wait_dma2 semaphore(%run_scoped3A : memref<!tpu.dma_semaphore, #tpu.memory_space<semaphore_mem>>) src(%dma_wait3A_32 : memref<80x125xi32, #tpu.memory_space<hbm>>) dst(%arg7 : memref<80x125xi32, #tpu.memory_space<vmem>>)
      tpu.yield
    }) : () -> ()
    %mul3A_5 = arith.constant 80 : i32
    %mul3A_6 = arith.muli %add3A, %mul3A_5 : i32
    "tpu.region"() ({
      %run_scoped3A = tpu.sem_alloc : memref<!tpu.dma_semaphore, #tpu.memory_space<semaphore_mem>>
      %dma_start3A_26 = arith.constant 0 : i32
      %dma_start3A_27 = tpu.memref_slice %arg4[%mul3A_6, %dma_start3A_26] : memref<2560x125xi32, #tpu.memory_space<hbm>> -> memref<80x125xi32, #tpu.memory_space<hbm>>
      %dma_start3A_28 = arith.constant 0 : i32
      %dma_start3A_29 = tpu.memref_slice %arg4[%mul3A_6, %dma_start3A_28] : memref<2560x125xi32, #tpu.memory_space<hbm>> -> memref<80x125xi32, #tpu.memory_space<hbm>>
      tpu.enqueue_dma source(%dma_start3A_29 : memref<80x125xi32, #tpu.memory_space<hbm>>) target(%arg8 : memref<80x125xi32, #tpu.memory_space<vmem>>) target_semaphore(%run_scoped3A : memref<!tpu.dma_semaphore, #tpu.memory_space<semaphore_mem>>)
      %dma_wait3A = arith.constant 0 : i32
      %dma_wait3A_30 = tpu.memref_slice %arg4[%mul3A_6, %dma_wait3A] : memref<2560x125xi32, #tpu.memory_space<hbm>> -> memref<80x125xi32, #tpu.memory_space<hbm>>
      %dma_wait3A_31 = arith.constant 0 : i32
      %dma_wait3A_32 = tpu.memref_slice %arg4[%mul3A_6, %dma_wait3A_31] : memref<2560x125xi32, #tpu.memory_space<hbm>> -> memref<80x125xi32, #tpu.memory_space<hbm>>
      tpu.wait_dma2 semaphore(%run_scoped3A : memref<!tpu.dma_semaphore, #tpu.memory_space<semaphore_mem>>) src(%dma_wait3A_32 : memref<80x125xi32, #tpu.memory_space<hbm>>) dst(%arg8 : memref<80x125xi32, #tpu.memory_space<vmem>>)
      tpu.yield
    }) : () -> ()
    %barrier3A = arith.constant 0 : index
    tpu.barrier barrier_id(%barrier3A)
    %dma_start3A = arith.constant 0 : i32
    %dma_start3A_7 = arith.constant 0 : i32
    %dma_start3A_8 = tpu.memref_slice %arg7[%dma_start3A, %dma_start3A_7] : memref<80x125xi32, #tpu.memory_space<vmem>> -> memref<1x125xi32, #tpu.memory_space<vmem>>
    %dma_start3A_9 = tpu.memref_squeeze %dma_start3A_8 : memref<1x125xi32, #tpu.memory_space<vmem>> -> memref<125xi32, #tpu.memory_space<vmem>>
    %dma_start3A_10 = arith.constant 0 : i32
    %dma_start3A_11 = arith.constant 0 : i32
    %dma_start3A_12 = tpu.memref_slice %arg2[%dma_start3A_10, %dma_start3A_11] : memref<10240x128xf32, #tpu.memory_space<hbm>> -> memref<10240x128xf32, #tpu.memory_space<hbm>>
    tpu.enqueue_indirect_dma source(%dma_start3A_12 : memref<10240x128xf32, #tpu.memory_space<hbm>>) target(%arg9 : memref<125x128xf32, #tpu.memory_space<vmem>>) offsets(%dma_start3A_9 : memref<125xi32, #tpu.memory_space<vmem>>) semaphore(%arg11 : memref<!tpu.dma_semaphore, #tpu.memory_space<semaphore_mem>>)
    %scan3A = arith.constant 0 : i32
    %scan3A_13 = arith.constant 0 : i32
    %scan3A_14 = arith.constant 80 : i32
    %scan3A_15 = arith.addi %scan3A_13, %scan3A_14 : i32
    %scan3A_16 = arith.constant 1 : i32
    scf.for %scan3A_26 = %scan3A_13 to %scan3A_15 step %scan3A_16  : i32 {
      %dma_wait3A = arith.constant 0 : i32
      %dma_wait3A_27 = tpu.memref_slice %arg7[%scan3A_26, %dma_wait3A] : memref<80x125xi32, #tpu.memory_space<vmem>> -> memref<1x125xi32, #tpu.memory_space<vmem>>
      %dma_wait3A_28 = tpu.memref_squeeze %dma_wait3A_27 : memref<1x125xi32, #tpu.memory_space<vmem>> -> memref<125xi32, #tpu.memory_space<vmem>>
      %dma_wait3A_29 = arith.constant 0 : i32
      %dma_wait3A_30 = arith.constant 0 : i32
      %dma_wait3A_31 = tpu.memref_slice %arg2[%dma_wait3A_29, %dma_wait3A_30] : memref<10240x128xf32, #tpu.memory_space<hbm>> -> memref<10240x128xf32, #tpu.memory_space<hbm>>
      tpu.wait_indirect_dma semaphore(%arg11 : memref<!tpu.dma_semaphore, #tpu.memory_space<semaphore_mem>>) src(%dma_wait3A_31 : memref<10240x128xf32, #tpu.memory_space<hbm>>) dst(%arg9 : memref<125x128xf32, #tpu.memory_space<vmem>>)
      "tpu.region"() ({
        %run_scoped3A = tpu.sem_alloc : memref<!tpu.dma_semaphore, #tpu.memory_space<semaphore_mem>>
        %dma_start3A_36 = arith.constant 0 : i32
        %dma_start3A_37 = tpu.memref_slice %arg8[%scan3A_26, %dma_start3A_36] : memref<80x125xi32, #tpu.memory_space<vmem>> -> memref<1x125xi32, #tpu.memory_space<vmem>>
        %dma_start3A_38 = tpu.memref_squeeze %dma_start3A_37 : memref<1x125xi32, #tpu.memory_space<vmem>> -> memref<125xi32, #tpu.memory_space<vmem>>
        %dma_start3A_39 = arith.constant 0 : i32
        %dma_start3A_40 = arith.constant 0 : i32
        %dma_start3A_41 = tpu.memref_slice %arg10[%dma_start3A_39, %dma_start3A_40] : memref<10240x128xf32, #tpu.memory_space<vmem_shared>> -> memref<10240x128xf32, #tpu.memory_space<vmem_shared>>
        tpu.enqueue_indirect_dma source(%arg9 : memref<125x128xf32, #tpu.memory_space<vmem>>) target(%dma_start3A_41 : memref<10240x128xf32, #tpu.memory_space<vmem_shared>>) offsets(%dma_start3A_38 : memref<125xi32, #tpu.memory_space<vmem>>) semaphore(%run_scoped3A : memref<!tpu.dma_semaphore, #tpu.memory_space<semaphore_mem>>) {add = true}
        %dma_wait3A_42 = arith.constant 0 : i32
        %dma_wait3A_43 = tpu.memref_slice %arg8[%scan3A_26, %dma_wait3A_42] : memref<80x125xi32, #tpu.memory_space<vmem>> -> memref<1x125xi32, #tpu.memory_space<vmem>>
        %dma_wait3A_44 = tpu.memref_squeeze %dma_wait3A_43 : memref<1x125xi32, #tpu.memory_space<vmem>> -> memref<125xi32, #tpu.memory_space<vmem>>
        %dma_wait3A_45 = arith.constant 0 : i32
        %dma_wait3A_46 = arith.constant 0 : i32
        %dma_wait3A_47 = tpu.memref_slice %arg10[%dma_wait3A_45, %dma_wait3A_46] : memref<10240x128xf32, #tpu.memory_space<vmem_shared>> -> memref<10240x128xf32, #tpu.memory_space<vmem_shared>>
        tpu.wait_indirect_dma semaphore(%run_scoped3A : memref<!tpu.dma_semaphore, #tpu.memory_space<semaphore_mem>>) src(%arg9 : memref<125x128xf32, #tpu.memory_space<vmem>>) dst(%dma_wait3A_47 : memref<10240x128xf32, #tpu.memory_space<vmem_shared>>)
        tpu.yield
      }) : () -> ()
      %add3A_32 = arith.constant 1 : i32
      %add3A_33 = arith.addi %scan3A_26, %add3A_32 : i32
      %lt3A = arith.constant 80 : i32
      %lt3A_34 = arith.cmpi slt, %add3A_33, %lt3A : i32
      %convert_element_type3A = arith.extui %lt3A_34 : i1 to i32
      %cond3A = arith.constant 0 : i32
      %cond3A_35 = arith.cmpi ne, %convert_element_type3A, %cond3A : i32
      scf.if %cond3A_35 {
        %add3A_36 = arith.constant 1 : i32
        %add3A_37 = arith.addi %scan3A_26, %add3A_36 : i32
        %dma_start3A_38 = arith.constant 0 : i32
        %dma_start3A_39 = tpu.memref_slice %arg7[%add3A_37, %dma_start3A_38] : memref<80x125xi32, #tpu.memory_space<vmem>> -> memref<1x125xi32, #tpu.memory_space<vmem>>
        %dma_start3A_40 = tpu.memref_squeeze %dma_start3A_39 : memref<1x125xi32, #tpu.memory_space<vmem>> -> memref<125xi32, #tpu.memory_space<vmem>>
        %dma_start3A_41 = arith.constant 0 : i32
        %dma_start3A_42 = arith.constant 0 : i32
        %dma_start3A_43 = tpu.memref_slice %arg2[%dma_start3A_41, %dma_start3A_42] : memref<10240x128xf32, #tpu.memory_space<hbm>> -> memref<10240x128xf32, #tpu.memory_space<hbm>>
        tpu.enqueue_indirect_dma source(%dma_start3A_43 : memref<10240x128xf32, #tpu.memory_space<hbm>>) target(%arg9 : memref<125x128xf32, #tpu.memory_space<vmem>>) offsets(%dma_start3A_40 : memref<125xi32, #tpu.memory_space<vmem>>) semaphore(%arg11 : memref<!tpu.dma_semaphore, #tpu.memory_space<semaphore_mem>>)
      } else {
      }
    }
    %scan3A_17 = arith.constant 80 : i32
    %barrier3A_18 = arith.constant 0 : index
    tpu.barrier barrier_id(%barrier3A_18)
    %mul3A_19 = arith.constant 640 : i32
    %mul3A_20 = arith.muli %arg1, %mul3A_19 : i32
    %mul3A_21 = arith.constant 10240 : i32
    %mul3A_22 = arith.muli %arg0, %mul3A_21 : i32
    %mul3A_23 = arith.constant 640 : i32
    %mul3A_24 = arith.muli %arg1, %mul3A_23 : i32
    %add3A_25 = arith.addi %mul3A_22, %mul3A_24 : i32
    "tpu.region"() ({
      %run_scoped3A = tpu.sem_alloc : memref<!tpu.dma_semaphore, #tpu.memory_space<semaphore_mem>>
      %dma_start3A_26 = arith.constant 0 : i32
      %dma_start3A_27 = tpu.memref_slice %arg6[%add3A_25, %dma_start3A_26] : memref<20480x128xf32, #tpu.memory_space<hbm>> -> memref<640x128xf32, #tpu.memory_space<hbm>>
      %dma_start3A_28 = arith.constant 0 : i32
      %dma_start3A_29 = tpu.memref_slice %arg10[%mul3A_20, %dma_start3A_28] : memref<10240x128xf32, #tpu.memory_space<vmem_shared>> -> memref<640x128xf32, #tpu.memory_space<vmem_shared>>
      tpu.enqueue_dma source(%dma_start3A_29 : memref<640x128xf32, #tpu.memory_space<vmem_shared>>) target(%dma_start3A_27 : memref<640x128xf32, #tpu.memory_space<hbm>>) target_semaphore(%run_scoped3A : memref<!tpu.dma_semaphore, #tpu.memory_space<semaphore_mem>>)
      %dma_wait3A = arith.constant 0 : i32
      %dma_wait3A_30 = tpu.memref_slice %arg6[%add3A_25, %dma_wait3A] : memref<20480x128xf32, #tpu.memory_space<hbm>> -> memref<640x128xf32, #tpu.memory_space<hbm>>
      %dma_wait3A_31 = arith.constant 0 : i32
      %dma_wait3A_32 = tpu.memref_slice %arg10[%mul3A_20, %dma_wait3A_31] : memref<10240x128xf32, #tpu.memory_space<vmem_shared>> -> memref<640x128xf32, #tpu.memory_space<vmem_shared>>
      tpu.wait_dma2 semaphore(%run_scoped3A : memref<!tpu.dma_semaphore, #tpu.memory_space<semaphore_mem>>) src(%dma_wait3A_32 : memref<640x128xf32, #tpu.memory_space<vmem_shared>>) dst(%dma_wait3A_30 : memref<640x128xf32, #tpu.memory_space<hbm>>)
      tpu.yield
    }) : () -> ()
    return
  }
}

#map = affine_map<(d0, d1) -> (0, 0)>
module attributes {stable_mosaic.version = 14 : i64} {
  func.func @_sc_agg(%arg0: i32, %arg1: i32, %arg2: memref<10240x128xf32, #tpu.memory_space<hbm>>, %arg3: memref<2560x125xi32, #tpu.memory_space<hbm>>, %arg4: memref<2560x125xi32, #tpu.memory_space<hbm>>, %arg5: memref<640x128xf32, #tpu.memory_space<hbm>>, %arg6: memref<20480x128xf32, #tpu.memory_space<hbm>>, %arg7: memref<80x125xi32, #tpu.memory_space<vmem>>, %arg8: memref<80x125xi32, #tpu.memory_space<vmem>>, %arg9: memref<125x128xf32, #tpu.memory_space<vmem>>, %arg10: memref<10240x128xf32, #tpu.memory_space<vmem_shared>>, %arg11: memref<!tpu.dma_semaphore, #tpu.memory_space<semaphore_mem>>, %arg12: memref<!tpu.dma_semaphore, #tpu.memory_space<semaphore_mem>>) attributes {dimension_semantics = [#tpu.dimension_semantics<core_parallel>, #tpu.dimension_semantics<subcore_parallel>], iteration_bounds = array<i64: 2, 16>, scalar_prefetch = 0 : i64, scratch_operands = 6 : i64, tpu.core_type = #tpu.core_type<sc_vector_subcore>, window_params = [{transform_indices = #map}, {transform_indices = #map}, {transform_indices = #map}, {transform_indices = #map}, {transform_indices = #map}]} {
    %mul3A = arith.constant 16 : i32
    %mul3A_0 = arith.muli %arg0, %mul3A : i32
    %add3A = arith.addi %mul3A_0, %arg1 : i32
    %mul3A_1 = arith.constant 640 : i32
    %mul3A_2 = arith.muli %arg1, %mul3A_1 : i32
    "tpu.region"() ({
      %run_scoped3A = tpu.sem_alloc : memref<!tpu.dma_semaphore, #tpu.memory_space<semaphore_mem>>
      %dma_start3A_26 = arith.constant 0 : i32
      %dma_start3A_27 = tpu.memref_slice %arg10[%mul3A_2, %dma_start3A_26] : memref<10240x128xf32, #tpu.memory_space<vmem_shared>> -> memref<640x128xf32, #tpu.memory_space<vmem_shared>>
      tpu.enqueue_dma source(%arg5 : memref<640x128xf32, #tpu.memory_space<hbm>>) target(%dma_start3A_27 : memref<640x128xf32, #tpu.memory_space<vmem_shared>>) target_semaphore(%run_scoped3A : memref<!tpu.dma_semaphore, #tpu.memory_space<semaphore_mem>>)
      %dma_wait3A = arith.constant 0 : i32
      %dma_wait3A_28 = tpu.memref_slice %arg10[%mul3A_2, %dma_wait3A] : memref<10240x128xf32, #tpu.memory_space<vmem_shared>> -> memref<640x128xf32, #tpu.memory_space<vmem_shared>>
      tpu.wait_dma2 semaphore(%run_scoped3A : memref<!tpu.dma_semaphore, #tpu.memory_space<semaphore_mem>>) src(%arg5 : memref<640x128xf32, #tpu.memory_space<hbm>>) dst(%dma_wait3A_28 : memref<640x128xf32, #tpu.memory_space<vmem_shared>>)
      tpu.yield
    }) : () -> ()
    %mul3A_3 = arith.constant 80 : i32
    %mul3A_4 = arith.muli %add3A, %mul3A_3 : i32
    "tpu.region"() ({
      %run_scoped3A = tpu.sem_alloc : memref<!tpu.dma_semaphore, #tpu.memory_space<semaphore_mem>>
      %dma_start3A_26 = arith.constant 0 : i32
      %dma_start3A_27 = tpu.memref_slice %arg3[%mul3A_4, %dma_start3A_26] : memref<2560x125xi32, #tpu.memory_space<hbm>> -> memref<80x125xi32, #tpu.memory_space<hbm>>
      %dma_start3A_28 = arith.constant 0 : i32
      %dma_start3A_29 = tpu.memref_slice %arg3[%mul3A_4, %dma_start3A_28] : memref<2560x125xi32, #tpu.memory_space<hbm>> -> memref<80x125xi32, #tpu.memory_space<hbm>>
      tpu.enqueue_dma source(%dma_start3A_29 : memref<80x125xi32, #tpu.memory_space<hbm>>) target(%arg7 : memref<80x125xi32, #tpu.memory_space<vmem>>) target_semaphore(%run_scoped3A : memref<!tpu.dma_semaphore, #tpu.memory_space<semaphore_mem>>)
      %dma_wait3A = arith.constant 0 : i32
      %dma_wait3A_30 = tpu.memref_slice %arg3[%mul3A_4, %dma_wait3A] : memref<2560x125xi32, #tpu.memory_space<hbm>> -> memref<80x125xi32, #tpu.memory_space<hbm>>
      %dma_wait3A_31 = arith.constant 0 : i32
      %dma_wait3A_32 = tpu.memref_slice %arg3[%mul3A_4, %dma_wait3A_31] : memref<2560x125xi32, #tpu.memory_space<hbm>> -> memref<80x125xi32, #tpu.memory_space<hbm>>
      tpu.wait_dma2 semaphore(%run_scoped3A : memref<!tpu.dma_semaphore, #tpu.memory_space<semaphore_mem>>) src(%dma_wait3A_32 : memref<80x125xi32, #tpu.memory_space<hbm>>) dst(%arg7 : memref<80x125xi32, #tpu.memory_space<vmem>>)
      tpu.yield
    }) : () -> ()
    %mul3A_5 = arith.constant 80 : i32
    %mul3A_6 = arith.muli %add3A, %mul3A_5 : i32
    "tpu.region"() ({
      %run_scoped3A = tpu.sem_alloc : memref<!tpu.dma_semaphore, #tpu.memory_space<semaphore_mem>>
      %dma_start3A_26 = arith.constant 0 : i32
      %dma_start3A_27 = tpu.memref_slice %arg4[%mul3A_6, %dma_start3A_26] : memref<2560x125xi32, #tpu.memory_space<hbm>> -> memref<80x125xi32, #tpu.memory_space<hbm>>
      %dma_start3A_28 = arith.constant 0 : i32
      %dma_start3A_29 = tpu.memref_slice %arg4[%mul3A_6, %dma_start3A_28] : memref<2560x125xi32, #tpu.memory_space<hbm>> -> memref<80x125xi32, #tpu.memory_space<hbm>>
      tpu.enqueue_dma source(%dma_start3A_29 : memref<80x125xi32, #tpu.memory_space<hbm>>) target(%arg8 : memref<80x125xi32, #tpu.memory_space<vmem>>) target_semaphore(%run_scoped3A : memref<!tpu.dma_semaphore, #tpu.memory_space<semaphore_mem>>)
      %dma_wait3A = arith.constant 0 : i32
      %dma_wait3A_30 = tpu.memref_slice %arg4[%mul3A_6, %dma_wait3A] : memref<2560x125xi32, #tpu.memory_space<hbm>> -> memref<80x125xi32, #tpu.memory_space<hbm>>
      %dma_wait3A_31 = arith.constant 0 : i32
      %dma_wait3A_32 = tpu.memref_slice %arg4[%mul3A_6, %dma_wait3A_31] : memref<2560x125xi32, #tpu.memory_space<hbm>> -> memref<80x125xi32, #tpu.memory_space<hbm>>
      tpu.wait_dma2 semaphore(%run_scoped3A : memref<!tpu.dma_semaphore, #tpu.memory_space<semaphore_mem>>) src(%dma_wait3A_32 : memref<80x125xi32, #tpu.memory_space<hbm>>) dst(%arg8 : memref<80x125xi32, #tpu.memory_space<vmem>>)
      tpu.yield
    }) : () -> ()
    %barrier3A = arith.constant 0 : index
    tpu.barrier barrier_id(%barrier3A)
    %dma_start3A = arith.constant 0 : i32
    %dma_start3A_7 = arith.constant 0 : i32
    %dma_start3A_8 = tpu.memref_slice %arg7[%dma_start3A, %dma_start3A_7] : memref<80x125xi32, #tpu.memory_space<vmem>> -> memref<1x125xi32, #tpu.memory_space<vmem>>
    %dma_start3A_9 = tpu.memref_squeeze %dma_start3A_8 : memref<1x125xi32, #tpu.memory_space<vmem>> -> memref<125xi32, #tpu.memory_space<vmem>>
    %dma_start3A_10 = arith.constant 0 : i32
    %dma_start3A_11 = arith.constant 0 : i32
    %dma_start3A_12 = tpu.memref_slice %arg2[%dma_start3A_10, %dma_start3A_11] : memref<10240x128xf32, #tpu.memory_space<hbm>> -> memref<10240x128xf32, #tpu.memory_space<hbm>>
    tpu.enqueue_indirect_dma source(%dma_start3A_12 : memref<10240x128xf32, #tpu.memory_space<hbm>>) target(%arg9 : memref<125x128xf32, #tpu.memory_space<vmem>>) offsets(%dma_start3A_9 : memref<125xi32, #tpu.memory_space<vmem>>) semaphore(%arg11 : memref<!tpu.dma_semaphore, #tpu.memory_space<semaphore_mem>>)
    %scan3A = arith.constant 0 : i32
    %scan3A_13 = arith.constant 0 : i32
    %scan3A_14 = arith.constant 80 : i32
    %scan3A_15 = arith.addi %scan3A_13, %scan3A_14 : i32
    %scan3A_16 = arith.constant 1 : i32
    scf.for %scan3A_26 = %scan3A_13 to %scan3A_15 step %scan3A_16  : i32 {
      %dma_wait3A = arith.constant 0 : i32
      %dma_wait3A_27 = tpu.memref_slice %arg7[%scan3A_26, %dma_wait3A] : memref<80x125xi32, #tpu.memory_space<vmem>> -> memref<1x125xi32, #tpu.memory_space<vmem>>
      %dma_wait3A_28 = tpu.memref_squeeze %dma_wait3A_27 : memref<1x125xi32, #tpu.memory_space<vmem>> -> memref<125xi32, #tpu.memory_space<vmem>>
      %dma_wait3A_29 = arith.constant 0 : i32
      %dma_wait3A_30 = arith.constant 0 : i32
      %dma_wait3A_31 = tpu.memref_slice %arg2[%dma_wait3A_29, %dma_wait3A_30] : memref<10240x128xf32, #tpu.memory_space<hbm>> -> memref<10240x128xf32, #tpu.memory_space<hbm>>
      tpu.wait_indirect_dma semaphore(%arg11 : memref<!tpu.dma_semaphore, #tpu.memory_space<semaphore_mem>>) src(%dma_wait3A_31 : memref<10240x128xf32, #tpu.memory_space<hbm>>) dst(%arg9 : memref<125x128xf32, #tpu.memory_space<vmem>>)
      "tpu.region"() ({
        %run_scoped3A = tpu.sem_alloc : memref<!tpu.dma_semaphore, #tpu.memory_space<semaphore_mem>>
        %dma_start3A_36 = arith.constant 0 : i32
        %dma_start3A_37 = tpu.memref_slice %arg8[%scan3A_26, %dma_start3A_36] : memref<80x125xi32, #tpu.memory_space<vmem>> -> memref<1x125xi32, #tpu.memory_space<vmem>>
        %dma_start3A_38 = tpu.memref_squeeze %dma_start3A_37 : memref<1x125xi32, #tpu.memory_space<vmem>> -> memref<125xi32, #tpu.memory_space<vmem>>
        %dma_start3A_39 = arith.constant 0 : i32
        %dma_start3A_40 = arith.constant 0 : i32
        %dma_start3A_41 = tpu.memref_slice %arg10[%dma_start3A_39, %dma_start3A_40] : memref<10240x128xf32, #tpu.memory_space<vmem_shared>> -> memref<10240x128xf32, #tpu.memory_space<vmem_shared>>
        tpu.enqueue_indirect_dma source(%arg9 : memref<125x128xf32, #tpu.memory_space<vmem>>) target(%dma_start3A_41 : memref<10240x128xf32, #tpu.memory_space<vmem_shared>>) offsets(%dma_start3A_38 : memref<125xi32, #tpu.memory_space<vmem>>) semaphore(%run_scoped3A : memref<!tpu.dma_semaphore, #tpu.memory_space<semaphore_mem>>) {add = true}
        %dma_wait3A_42 = arith.constant 0 : i32
        %dma_wait3A_43 = tpu.memref_slice %arg8[%scan3A_26, %dma_wait3A_42] : memref<80x125xi32, #tpu.memory_space<vmem>> -> memref<1x125xi32, #tpu.memory_space<vmem>>
        %dma_wait3A_44 = tpu.memref_squeeze %dma_wait3A_43 : memref<1x125xi32, #tpu.memory_space<vmem>> -> memref<125xi32, #tpu.memory_space<vmem>>
        %dma_wait3A_45 = arith.constant 0 : i32
        %dma_wait3A_46 = arith.constant 0 : i32
        %dma_wait3A_47 = tpu.memref_slice %arg10[%dma_wait3A_45, %dma_wait3A_46] : memref<10240x128xf32, #tpu.memory_space<vmem_shared>> -> memref<10240x128xf32, #tpu.memory_space<vmem_shared>>
        tpu.wait_indirect_dma semaphore(%run_scoped3A : memref<!tpu.dma_semaphore, #tpu.memory_space<semaphore_mem>>) src(%arg9 : memref<125x128xf32, #tpu.memory_space<vmem>>) dst(%dma_wait3A_47 : memref<10240x128xf32, #tpu.memory_space<vmem_shared>>)
        tpu.yield
      }) : () -> ()
      %add3A_32 = arith.constant 1 : i32
      %add3A_33 = arith.addi %scan3A_26, %add3A_32 : i32
      %lt3A = arith.constant 80 : i32
      %lt3A_34 = arith.cmpi slt, %add3A_33, %lt3A : i32
      %convert_element_type3A = arith.extui %lt3A_34 : i1 to i32
      %cond3A = arith.constant 0 : i32
      %cond3A_35 = arith.cmpi ne, %convert_element_type3A, %cond3A : i32
      scf.if %cond3A_35 {
        %add3A_36 = arith.constant 1 : i32
        %add3A_37 = arith.addi %scan3A_26, %add3A_36 : i32
        %dma_start3A_38 = arith.constant 0 : i32
        %dma_start3A_39 = tpu.memref_slice %arg7[%add3A_37, %dma_start3A_38] : memref<80x125xi32, #tpu.memory_space<vmem>> -> memref<1x125xi32, #tpu.memory_space<vmem>>
        %dma_start3A_40 = tpu.memref_squeeze %dma_start3A_39 : memref<1x125xi32, #tpu.memory_space<vmem>> -> memref<125xi32, #tpu.memory_space<vmem>>
        %dma_start3A_41 = arith.constant 0 : i32
        %dma_start3A_42 = arith.constant 0 : i32
        %dma_start3A_43 = tpu.memref_slice %arg2[%dma_start3A_41, %dma_start3A_42] : memref<10240x128xf32, #tpu.memory_space<hbm>> -> memref<10240x128xf32, #tpu.memory_space<hbm>>
        tpu.enqueue_indirect_dma source(%dma_start3A_43 : memref<10240x128xf32, #tpu.memory_space<hbm>>) target(%arg9 : memref<125x128xf32, #tpu.memory_space<vmem>>) offsets(%dma_start3A_40 : memref<125xi32, #tpu.memory_space<vmem>>) semaphore(%arg11 : memref<!tpu.dma_semaphore, #tpu.memory_space<semaphore_mem>>)
      } else {
      }
    }
    %scan3A_17 = arith.constant 80 : i32
    %barrier3A_18 = arith.constant 0 : index
    tpu.barrier barrier_id(%barrier3A_18)
    %mul3A_19 = arith.constant 640 : i32
    %mul3A_20 = arith.muli %arg1, %mul3A_19 : i32
    %mul3A_21 = arith.constant 10240 : i32
    %mul3A_22 = arith.muli %arg0, %mul3A_21 : i32
    %mul3A_23 = arith.constant 640 : i32
    %mul3A_24 = arith.muli %arg1, %mul3A_23 : i32
    %add3A_25 = arith.addi %mul3A_22, %mul3A_24 : i32
    "tpu.region"() ({
      %run_scoped3A = tpu.sem_alloc : memref<!tpu.dma_semaphore, #tpu.memory_space<semaphore_mem>>
      %dma_start3A_26 = arith.constant 0 : i32
      %dma_start3A_27 = tpu.memref_slice %arg6[%add3A_25, %dma_start3A_26] : memref<20480x128xf32, #tpu.memory_space<hbm>> -> memref<640x128xf32, #tpu.memory_space<hbm>>
      %dma_start3A_28 = arith.constant 0 : i32
      %dma_start3A_29 = tpu.memref_slice %arg10[%mul3A_20, %dma_start3A_28] : memref<10240x128xf32, #tpu.memory_space<vmem_shared>> -> memref<640x128xf32, #tpu.memory_space<vmem_shared>>
      tpu.enqueue_dma source(%dma_start3A_29 : memref<640x128xf32, #tpu.memory_space<vmem_shared>>) target(%dma_start3A_27 : memref<640x128xf32, #tpu.memory_space<hbm>>) target_semaphore(%run_scoped3A : memref<!tpu.dma_semaphore, #tpu.memory_space<semaphore_mem>>)
      %dma_wait3A = arith.constant 0 : i32
      %dma_wait3A_30 = tpu.memref_slice %arg6[%add3A_25, %dma_wait3A] : memref<20480x128xf32, #tpu.memory_space<hbm>> -> memref<640x128xf32, #tpu.memory_space<hbm>>
      %dma_wait3A_31 = arith.constant 0 : i32
      %dma_wait3A_32 = tpu.memref_slice %arg10[%mul3A_20, %dma_wait3A_31] : memref<10240x128xf32, #tpu.memory_space<vmem_shared>> -> memref<640x128xf32, #tpu.memory_space<vmem_shared>>
      tpu.wait_dma2 semaphore(%run_scoped3A : memref<!tpu.dma_semaphore, #tpu.memory_space<semaphore_mem>>) src(%dma_wait3A_32 : memref<640x128xf32, #tpu.memory_space<vmem_shared>>) dst(%dma_wait3A_30 : memref<640x128xf32, #tpu.memory_space<hbm>>)
      tpu.yield
    }) : () -> ()
    return
  }
}

#map = affine_map<(d0, d1) -> (0, 0)>
module attributes {stable_mosaic.version = 14 : i64} {
  func.func @_sc_deg(%arg0: i32, %arg1: i32, %arg2: memref<2560x125xi32, #tpu.memory_space<hbm>>, %arg3: memref<640x128xf32, #tpu.memory_space<hbm>>, %arg4: memref<125x128xf32, #tpu.memory_space<hbm>>, %arg5: memref<20480x128xf32, #tpu.memory_space<hbm>>, %arg6: memref<80x125xi32, #tpu.memory_space<vmem>>, %arg7: memref<125x128xf32, #tpu.memory_space<vmem>>, %arg8: memref<10240x128xf32, #tpu.memory_space<vmem_shared>>, %arg9: memref<!tpu.dma_semaphore, #tpu.memory_space<semaphore_mem>>) attributes {dimension_semantics = [#tpu.dimension_semantics<core_parallel>, #tpu.dimension_semantics<subcore_parallel>], iteration_bounds = array<i64: 2, 16>, scalar_prefetch = 0 : i64, scratch_operands = 4 : i64, tpu.core_type = #tpu.core_type<sc_vector_subcore>, window_params = [{transform_indices = #map}, {transform_indices = #map}, {transform_indices = #map}, {transform_indices = #map}]} {
    %mul3A = arith.constant 16 : i32
    %mul3A_0 = arith.muli %arg0, %mul3A : i32
    %add3A = arith.addi %mul3A_0, %arg1 : i32
    %mul3A_1 = arith.constant 640 : i32
    %mul3A_2 = arith.muli %arg1, %mul3A_1 : i32
    "tpu.region"() ({
      %run_scoped3A = tpu.sem_alloc : memref<!tpu.dma_semaphore, #tpu.memory_space<semaphore_mem>>
      %dma_start3A = arith.constant 0 : i32
      %dma_start3A_24 = tpu.memref_slice %arg8[%mul3A_2, %dma_start3A] : memref<10240x128xf32, #tpu.memory_space<vmem_shared>> -> memref<640x128xf32, #tpu.memory_space<vmem_shared>>
      tpu.enqueue_dma source(%arg3 : memref<640x128xf32, #tpu.memory_space<hbm>>) target(%dma_start3A_24 : memref<640x128xf32, #tpu.memory_space<vmem_shared>>) target_semaphore(%run_scoped3A : memref<!tpu.dma_semaphore, #tpu.memory_space<semaphore_mem>>)
      %dma_wait3A = arith.constant 0 : i32
      %dma_wait3A_25 = tpu.memref_slice %arg8[%mul3A_2, %dma_wait3A] : memref<10240x128xf32, #tpu.memory_space<vmem_shared>> -> memref<640x128xf32, #tpu.memory_space<vmem_shared>>
      tpu.wait_dma2 semaphore(%run_scoped3A : memref<!tpu.dma_semaphore, #tpu.memory_space<semaphore_mem>>) src(%arg3 : memref<640x128xf32, #tpu.memory_space<hbm>>) dst(%dma_wait3A_25 : memref<640x128xf32, #tpu.memory_space<vmem_shared>>)
      tpu.yield
    }) : () -> ()
    "tpu.region"() ({
      %run_scoped3A = tpu.sem_alloc : memref<!tpu.dma_semaphore, #tpu.memory_space<semaphore_mem>>
      tpu.enqueue_dma source(%arg4 : memref<125x128xf32, #tpu.memory_space<hbm>>) target(%arg7 : memref<125x128xf32, #tpu.memory_space<vmem>>) target_semaphore(%run_scoped3A : memref<!tpu.dma_semaphore, #tpu.memory_space<semaphore_mem>>)
      tpu.wait_dma2 semaphore(%run_scoped3A : memref<!tpu.dma_semaphore, #tpu.memory_space<semaphore_mem>>) src(%arg4 : memref<125x128xf32, #tpu.memory_space<hbm>>) dst(%arg7 : memref<125x128xf32, #tpu.memory_space<vmem>>)
      tpu.yield
    }) : () -> ()
    %mul3A_3 = arith.constant 80 : i32
    %mul3A_4 = arith.muli %add3A, %mul3A_3 : i32
    "tpu.region"() ({
      %run_scoped3A = tpu.sem_alloc : memref<!tpu.dma_semaphore, #tpu.memory_space<semaphore_mem>>
      %dma_start3A = arith.constant 0 : i32
      %dma_start3A_24 = tpu.memref_slice %arg2[%mul3A_4, %dma_start3A] : memref<2560x125xi32, #tpu.memory_space<hbm>> -> memref<80x125xi32, #tpu.memory_space<hbm>>
      %dma_start3A_25 = arith.constant 0 : i32
      %dma_start3A_26 = tpu.memref_slice %arg2[%mul3A_4, %dma_start3A_25] : memref<2560x125xi32, #tpu.memory_space<hbm>> -> memref<80x125xi32, #tpu.memory_space<hbm>>
      tpu.enqueue_dma source(%dma_start3A_26 : memref<80x125xi32, #tpu.memory_space<hbm>>) target(%arg6 : memref<80x125xi32, #tpu.memory_space<vmem>>) target_semaphore(%run_scoped3A : memref<!tpu.dma_semaphore, #tpu.memory_space<semaphore_mem>>)
      %dma_wait3A = arith.constant 0 : i32
      %dma_wait3A_27 = tpu.memref_slice %arg2[%mul3A_4, %dma_wait3A] : memref<2560x125xi32, #tpu.memory_space<hbm>> -> memref<80x125xi32, #tpu.memory_space<hbm>>
      %dma_wait3A_28 = arith.constant 0 : i32
      %dma_wait3A_29 = tpu.memref_slice %arg2[%mul3A_4, %dma_wait3A_28] : memref<2560x125xi32, #tpu.memory_space<hbm>> -> memref<80x125xi32, #tpu.memory_space<hbm>>
      tpu.wait_dma2 semaphore(%run_scoped3A : memref<!tpu.dma_semaphore, #tpu.memory_space<semaphore_mem>>) src(%dma_wait3A_29 : memref<80x125xi32, #tpu.memory_space<hbm>>) dst(%arg6 : memref<80x125xi32, #tpu.memory_space<vmem>>)
      tpu.yield
    }) : () -> ()
    %barrier3A = arith.constant 0 : index
    tpu.barrier barrier_id(%barrier3A)
    %scan3A = arith.constant 0 : i32
    %scan3A_5 = arith.constant 0 : i32
    %scan3A_6 = arith.constant 80 : i32
    %scan3A_7 = arith.addi %scan3A_5, %scan3A_6 : i32
    %scan3A_8 = arith.constant 1 : i32
    scf.for %scan3A_24 = %scan3A_5 to %scan3A_7 step %scan3A_8  : i32 {
      %dma_start3A = arith.constant 0 : i32
      %dma_start3A_25 = tpu.memref_slice %arg6[%scan3A_24, %dma_start3A] : memref<80x125xi32, #tpu.memory_space<vmem>> -> memref<1x125xi32, #tpu.memory_space<vmem>>
      %dma_start3A_26 = tpu.memref_squeeze %dma_start3A_25 : memref<1x125xi32, #tpu.memory_space<vmem>> -> memref<125xi32, #tpu.memory_space<vmem>>
      %dma_start3A_27 = arith.constant 0 : i32
      %dma_start3A_28 = arith.constant 0 : i32
      %dma_start3A_29 = tpu.memref_slice %arg8[%dma_start3A_27, %dma_start3A_28] : memref<10240x128xf32, #tpu.memory_space<vmem_shared>> -> memref<10240x128xf32, #tpu.memory_space<vmem_shared>>
      tpu.enqueue_indirect_dma source(%arg7 : memref<125x128xf32, #tpu.memory_space<vmem>>) target(%dma_start3A_29 : memref<10240x128xf32, #tpu.memory_space<vmem_shared>>) offsets(%dma_start3A_26 : memref<125xi32, #tpu.memory_space<vmem>>) semaphore(%arg9 : memref<!tpu.dma_semaphore, #tpu.memory_space<semaphore_mem>>) {add = true}
      %ge3A = arith.constant 4 : i32
      %ge3A_30 = arith.cmpi sge, %scan3A_24, %ge3A : i32
      %convert_element_type3A = arith.extui %ge3A_30 : i1 to i32
      %cond3A = arith.constant 0 : i32
      %cond3A_31 = arith.cmpi ne, %convert_element_type3A, %cond3A : i32
      scf.if %cond3A_31 {
        %dma_wait3A = arith.constant 0 : i32
        %dma_wait3A_32 = arith.constant 0 : i32
        %dma_wait3A_33 = tpu.memref_slice %arg6[%dma_wait3A, %dma_wait3A_32] : memref<80x125xi32, #tpu.memory_space<vmem>> -> memref<1x125xi32, #tpu.memory_space<vmem>>
        %dma_wait3A_34 = tpu.memref_squeeze %dma_wait3A_33 : memref<1x125xi32, #tpu.memory_space<vmem>> -> memref<125xi32, #tpu.memory_space<vmem>>
        %dma_wait3A_35 = arith.constant 0 : i32
        %dma_wait3A_36 = arith.constant 0 : i32
        %dma_wait3A_37 = tpu.memref_slice %arg8[%dma_wait3A_35, %dma_wait3A_36] : memref<10240x128xf32, #tpu.memory_space<vmem_shared>> -> memref<10240x128xf32, #tpu.memory_space<vmem_shared>>
        tpu.wait_indirect_dma semaphore(%arg9 : memref<!tpu.dma_semaphore, #tpu.memory_space<semaphore_mem>>) src(%arg7 : memref<125x128xf32, #tpu.memory_space<vmem>>) dst(%dma_wait3A_37 : memref<10240x128xf32, #tpu.memory_space<vmem_shared>>)
      } else {
      }
    }
    %scan3A_9 = arith.constant 80 : i32
    %scan3A_10 = arith.constant 0 : i32
    %scan3A_11 = arith.constant 0 : i32
    %scan3A_12 = arith.constant 4 : i32
    %scan3A_13 = arith.addi %scan3A_11, %scan3A_12 : i32
    %scan3A_14 = arith.constant 1 : i32
    scf.for %scan3A_24 = %scan3A_11 to %scan3A_13 step %scan3A_14  : i32 {
      %dma_wait3A = arith.constant 0 : i32
      %dma_wait3A_25 = arith.constant 0 : i32
      %dma_wait3A_26 = tpu.memref_slice %arg6[%dma_wait3A, %dma_wait3A_25] : memref<80x125xi32, #tpu.memory_space<vmem>> -> memref<1x125xi32, #tpu.memory_space<vmem>>
      %dma_wait3A_27 = tpu.memref_squeeze %dma_wait3A_26 : memref<1x125xi32, #tpu.memory_space<vmem>> -> memref<125xi32, #tpu.memory_space<vmem>>
      %dma_wait3A_28 = arith.constant 0 : i32
      %dma_wait3A_29 = arith.constant 0 : i32
      %dma_wait3A_30 = tpu.memref_slice %arg8[%dma_wait3A_28, %dma_wait3A_29] : memref<10240x128xf32, #tpu.memory_space<vmem_shared>> -> memref<10240x128xf32, #tpu.memory_space<vmem_shared>>
      tpu.wait_indirect_dma semaphore(%arg9 : memref<!tpu.dma_semaphore, #tpu.memory_space<semaphore_mem>>) src(%arg7 : memref<125x128xf32, #tpu.memory_space<vmem>>) dst(%dma_wait3A_30 : memref<10240x128xf32, #tpu.memory_space<vmem_shared>>)
    }
    %scan3A_15 = arith.constant 4 : i32
    %barrier3A_16 = arith.constant 0 : index
    tpu.barrier barrier_id(%barrier3A_16)
    %mul3A_17 = arith.constant 640 : i32
    %mul3A_18 = arith.muli %arg1, %mul3A_17 : i32
    %mul3A_19 = arith.constant 10240 : i32
    %mul3A_20 = arith.muli %arg0, %mul3A_19 : i32
    %mul3A_21 = arith.constant 640 : i32
    %mul3A_22 = arith.muli %arg1, %mul3A_21 : i32
    %add3A_23 = arith.addi %mul3A_20, %mul3A_22 : i32
    "tpu.region"() ({
      %run_scoped3A = tpu.sem_alloc : memref<!tpu.dma_semaphore, #tpu.memory_space<semaphore_mem>>
      %dma_start3A = arith.constant 0 : i32
      %dma_start3A_24 = tpu.memref_slice %arg5[%add3A_23, %dma_start3A] : memref<20480x128xf32, #tpu.memory_space<hbm>> -> memref<640x128xf32, #tpu.memory_space<hbm>>
      %dma_start3A_25 = arith.constant 0 : i32
      %dma_start3A_26 = tpu.memref_slice %arg8[%mul3A_18, %dma_start3A_25] : memref<10240x128xf32, #tpu.memory_space<vmem_shared>> -> memref<640x128xf32, #tpu.memory_space<vmem_shared>>
      tpu.enqueue_dma source(%dma_start3A_26 : memref<640x128xf32, #tpu.memory_space<vmem_shared>>) target(%dma_start3A_24 : memref<640x128xf32, #tpu.memory_space<hbm>>) target_semaphore(%run_scoped3A : memref<!tpu.dma_semaphore, #tpu.memory_space<semaphore_mem>>)
      %dma_wait3A = arith.constant 0 : i32
      %dma_wait3A_27 = tpu.memref_slice %arg5[%add3A_23, %dma_wait3A] : memref<20480x128xf32, #tpu.memory_space<hbm>> -> memref<640x128xf32, #tpu.memory_space<hbm>>
      %dma_wait3A_28 = arith.constant 0 : i32
      %dma_wait3A_29 = tpu.memref_slice %arg8[%mul3A_18, %dma_wait3A_28] : memref<10240x128xf32, #tpu.memory_space<vmem_shared>> -> memref<640x128xf32, #tpu.memory_space<vmem_shared>>
      tpu.wait_dma2 semaphore(%run_scoped3A : memref<!tpu.dma_semaphore, #tpu.memory_space<semaphore_mem>>) src(%dma_wait3A_29 : memref<640x128xf32, #tpu.memory_space<vmem_shared>>) dst(%dma_wait3A_27 : memref<640x128xf32, #tpu.memory_space<hbm>>)
      tpu.yield
    }) : () -> ()
    return
  }
}

module attributes {stable_mosaic.version = 14 : i64} {
  func.func @_tc1_body(%arg0: i32, %arg1: memref<1024x128xf32, #tpu.memory_space<vmem>>, %arg2: memref<128x128xf32, #tpu.memory_space<vmem>>, %arg3: memref<1x128xf32, #tpu.memory_space<vmem>>, %arg4: memref<1024x2xf32, #tpu.memory_space<vmem>>, %arg5: memref<1024x128xf32, #tpu.memory_space<vmem>>, %arg6: memref<1024x1xf32, #tpu.memory_space<vmem>>) attributes {dimension_semantics = [#tpu.dimension_semantics<arbitrary>], iteration_bounds = array<i64: 10>, scalar_prefetch = 0 : i64, scratch_operands = 0 : i64, tpu.core_type = #tpu.core_type<tc>, window_params = [{transform_indices = @transform_0, window_bounds = array<i64: 1024, 128>}, {pipeline_mode = #tpu.pipeline_mode<synchronous>, transform_indices = @transform_1, window_bounds = array<i64: 128, 128>}, {pipeline_mode = #tpu.pipeline_mode<synchronous>, transform_indices = @transform_2, window_bounds = array<i64: 1, 128>}, {transform_indices = @transform_3, window_bounds = array<i64: 1024, 2>}, {transform_indices = @transform_4, window_bounds = array<i64: 1024, 128>}, {transform_indices = @transform_5, window_bounds = array<i64: 1024, 1>}]} {
    %get3A = arith.constant 0 : index
    %get3A_0 = arith.constant 0 : index
    %get3A_1 = vector.load %arg4[%get3A, %get3A_0] : memref<1024x2xf32, #tpu.memory_space<vmem>>, vector<1024x2xf32>
    %slice3A = vector.extract_strided_slice %get3A_1 {offsets = [0, 0], sizes = [1024, 1], strides = [1, 1]} : vector<1024x2xf32> to vector<1024x1xf32>
    %slice3A_2 = vector.extract_strided_slice %get3A_1 {offsets = [0, 1], sizes = [1024, 1], strides = [1, 1]} : vector<1024x2xf32> to vector<1024x1xf32>
    %add3A = arith.addf %slice3A, %slice3A_2 : vector<1024x1xf32>
    %add3A_3 = arith.constant 1.000000e+00 : f32
    %add3A_4 = vector.broadcast %add3A_3 : f32 to vector<1024x1xf32>
    %add3A_5 = arith.addf %add3A, %add3A_4 : vector<1024x1xf32>
    %rsqrt3A = math.rsqrt %add3A_5 : vector<1024x1xf32>
    %get3A_6 = arith.constant 0 : index
    %get3A_7 = arith.constant 0 : index
    %get3A_8 = vector.load %arg1[%get3A_6, %get3A_7] : memref<1024x128xf32, #tpu.memory_space<vmem>>, vector<1024x128xf32>
    %get3A_9 = arith.constant 0 : index
    %get3A_10 = arith.constant 0 : index
    %get3A_11 = vector.load %arg2[%get3A_9, %get3A_10] : memref<128x128xf32, #tpu.memory_space<vmem>>, vector<128x128xf32>
    %dot_general3A = arith.constant dense<0.000000e+00> : vector<1024x128xf32>
    %dot_general3A_12 = tpu.matmul %get3A_8, %get3A_11, %dot_general3A {dimension_numbers = #tpu.dot_dimension_numbers<[1], [0], [0], [1], [0, 0, 1, 1], [], []>, transpose_lhs_hint = false} : vector<1024x128xf32>, vector<128x128xf32>, vector<1024x128xf32> -> vector<1024x128xf32>
    %get3A_13 = arith.constant 0 : index
    %get3A_14 = arith.constant 0 : index
    %get3A_15 = vector.load %arg3[%get3A_13, %get3A_14] : memref<1x128xf32, #tpu.memory_space<vmem>>, vector<1x128xf32>
    %add3A_16 = vector.broadcast %get3A_15 : vector<1x128xf32> to vector<1024x128xf32>
    %add3A_17 = arith.addf %dot_general3A_12, %add3A_16 : vector<1024x128xf32>
    %mul3A = vector.broadcast %rsqrt3A : vector<1024x1xf32> to vector<1024x128xf32>
    %mul3A_18 = arith.mulf %add3A_17, %mul3A : vector<1024x128xf32>
    %swap3A = arith.constant 0 : index
    %swap3A_19 = arith.constant 0 : index
    %swap3A_20 = vector.load %arg5[%swap3A, %swap3A_19] : memref<1024x128xf32, #tpu.memory_space<vmem>>, vector<1024x128xf32>
    tpu.vector_store %arg5[%swap3A, %swap3A_19], %mul3A_18 {strides = array<i32>} : memref<1024x128xf32, #tpu.memory_space<vmem>>, vector<1024x128xf32>,
    %swap3A_21 = arith.constant 0 : index
    %swap3A_22 = arith.constant 0 : index
    %swap3A_23 = vector.load %arg6[%swap3A_21, %swap3A_22] : memref<1024x1xf32, #tpu.memory_space<vmem>>, vector<1024x1xf32>
    tpu.vector_store %arg6[%swap3A_21, %swap3A_22], %rsqrt3A {strides = array<i32>} : memref<1024x1xf32, #tpu.memory_space<vmem>>, vector<1024x1xf32>,
    return
  }
  func.func @transform_0(%arg0: i32) -> (i32, i32) {
    %c0_i32 = arith.constant 0 : i32
    %c0_i32_0 = arith.constant 0 : i32
    return %arg0, %c0_i32 : i32, i32
  }
  func.func @transform_1(%arg0: i32) -> (i32, i32) {
    %c0_i32 = arith.constant 0 : i32
    %c0_i32_0 = arith.constant 0 : i32
    %c0_i32_1 = arith.constant 0 : i32
    return %c0_i32, %c0_i32_0 : i32, i32
  }
  func.func @transform_2(%arg0: i32) -> (i32, i32) {
    %c0_i32 = arith.constant 0 : i32
    %c0_i32_0 = arith.constant 0 : i32
    %c0_i32_1 = arith.constant 0 : i32
    return %c0_i32, %c0_i32_0 : i32, i32
  }
  func.func @transform_3(%arg0: i32) -> (i32, i32) {
    %c0_i32 = arith.constant 0 : i32
    %c0_i32_0 = arith.constant 0 : i32
    return %arg0, %c0_i32 : i32, i32
  }
  func.func @transform_4(%arg0: i32) -> (i32, i32) {
    %c0_i32 = arith.constant 0 : i32
    %c0_i32_0 = arith.constant 0 : i32
    return %arg0, %c0_i32 : i32, i32
  }
  func.func @transform_5(%arg0: i32) -> (i32, i32) {
    %c0_i32 = arith.constant 0 : i32
    %c0_i32_0 = arith.constant 0 : i32
    return %arg0, %c0_i32 : i32, i32
  }
}

module attributes {stable_mosaic.version = 14 : i64} {
  func.func @_tc2_body(%arg0: i32, %arg1: memref<2x1024x128xf32, #tpu.memory_space<vmem>>, %arg2: memref<1024x128xf32, #tpu.memory_space<vmem>>, %arg3: memref<1024x1xf32, #tpu.memory_space<vmem>>, %arg4: memref<128x128xf32, #tpu.memory_space<vmem>>, %arg5: memref<1x128xf32, #tpu.memory_space<vmem>>, %arg6: memref<1024x128xf32, #tpu.memory_space<vmem>>) attributes {dimension_semantics = [#tpu.dimension_semantics<arbitrary>], iteration_bounds = array<i64: 10>, scalar_prefetch = 0 : i64, scratch_operands = 0 : i64, tpu.core_type = #tpu.core_type<tc>, window_params = [{transform_indices = @transform_0, window_bounds = array<i64: 2, 1024, 128>}, {transform_indices = @transform_1, window_bounds = array<i64: 1024, 128>}, {transform_indices = @transform_2, window_bounds = array<i64: 1024, 1>}, {pipeline_mode = #tpu.pipeline_mode<synchronous>, transform_indices = @transform_3, window_bounds = array<i64: 128, 128>}, {pipeline_mode = #tpu.pipeline_mode<synchronous>, transform_indices = @transform_4, window_bounds = array<i64: 1, 128>}, {transform_indices = @transform_5, window_bounds = array<i64: 1024, 128>}]} {
    %get3A = arith.constant 0 : index
    %get3A_0 = arith.constant 0 : index
    %get3A_1 = vector.load %arg3[%get3A, %get3A_0] : memref<1024x1xf32, #tpu.memory_space<vmem>>, vector<1024x1xf32>
    %get3A_2 = arith.constant 0 : index
    %get3A_3 = arith.constant 0 : index
    %get3A_4 = arith.constant 0 : index
    %get3A_5 = vector.load %arg1[%get3A_2, %get3A_3, %get3A_4] : memref<2x1024x128xf32, #tpu.memory_space<vmem>>, vector<1x1024x128xf32>
    %get3A_6 = vector.shape_cast %get3A_5 : vector<1x1024x128xf32> to vector<1024x128xf32>
    %get3A_7 = arith.constant 1 : index
    %get3A_8 = arith.constant 0 : index
    %get3A_9 = arith.constant 0 : index
    %get3A_10 = vector.load %arg1[%get3A_7, %get3A_8, %get3A_9] : memref<2x1024x128xf32, #tpu.memory_space<vmem>>, vector<1x1024x128xf32>
    %get3A_11 = vector.shape_cast %get3A_10 : vector<1x1024x128xf32> to vector<1024x128xf32>
    %add3A = arith.addf %get3A_6, %get3A_11 : vector<1024x128xf32>
    %get3A_12 = arith.constant 0 : index
    %get3A_13 = arith.constant 0 : index
    %get3A_14 = vector.load %arg2[%get3A_12, %get3A_13] : memref<1024x128xf32, #tpu.memory_space<vmem>>, vector<1024x128xf32>
    %add3A_15 = arith.addf %add3A, %get3A_14 : vector<1024x128xf32>
    %mul3A = vector.broadcast %get3A_1 : vector<1024x1xf32> to vector<1024x128xf32>
    %mul3A_16 = arith.mulf %mul3A, %add3A_15 : vector<1024x128xf32>
    %max3A = arith.constant 0.000000e+00 : f32
    %max3A_17 = vector.broadcast %max3A : f32 to vector<1024x128xf32>
    %max3A_18 = arith.maximumf %mul3A_16, %max3A_17 : vector<1024x128xf32>
    %get3A_19 = arith.constant 0 : index
    %get3A_20 = arith.constant 0 : index
    %get3A_21 = vector.load %arg4[%get3A_19, %get3A_20] : memref<128x128xf32, #tpu.memory_space<vmem>>, vector<128x128xf32>
    %dot_general3A = arith.constant dense<0.000000e+00> : vector<1024x128xf32>
    %dot_general3A_22 = tpu.matmul %max3A_18, %get3A_21, %dot_general3A {dimension_numbers = #tpu.dot_dimension_numbers<[1], [0], [0], [1], [0, 0, 1, 1], [], []>, transpose_lhs_hint = false} : vector<1024x128xf32>, vector<128x128xf32>, vector<1024x128xf32> -> vector<1024x128xf32>
    %get3A_23 = arith.constant 0 : index
    %get3A_24 = arith.constant 0 : index
    %get3A_25 = vector.load %arg5[%get3A_23, %get3A_24] : memref<1x128xf32, #tpu.memory_space<vmem>>, vector<1x128xf32>
    %add3A_26 = vector.broadcast %get3A_25 : vector<1x128xf32> to vector<1024x128xf32>
    %add3A_27 = arith.addf %dot_general3A_22, %add3A_26 : vector<1024x128xf32>
    %mul3A_28 = vector.broadcast %get3A_1 : vector<1024x1xf32> to vector<1024x128xf32>
    %mul3A_29 = arith.mulf %add3A_27, %mul3A_28 : vector<1024x128xf32>
    %swap3A = arith.constant 0 : index
    %swap3A_30 = arith.constant 0 : index
    %swap3A_31 = vector.load %arg6[%swap3A, %swap3A_30] : memref<1024x128xf32, #tpu.memory_space<vmem>>, vector<1024x128xf32>
    tpu.vector_store %arg6[%swap3A, %swap3A_30], %mul3A_29 {strides = array<i32>} : memref<1024x128xf32, #tpu.memory_space<vmem>>, vector<1024x128xf32>,
    return
  }
  func.func @transform_0(%arg0: i32) -> (i32, i32, i32) {
    %c0_i32 = arith.constant 0 : i32
    %c0_i32_0 = arith.constant 0 : i32
    %c0_i32_1 = arith.constant 0 : i32
    return %c0_i32, %arg0, %c0_i32_0 : i32, i32, i32
  }
  func.func @transform_1(%arg0: i32) -> (i32, i32) {
    %c0_i32 = arith.constant 0 : i32
    %c0_i32_0 = arith.constant 0 : i32
    return %arg0, %c0_i32 : i32, i32
  }
  func.func @transform_2(%arg0: i32) -> (i32, i32) {
    %c0_i32 = arith.constant 0 : i32
    %c0_i32_0 = arith.constant 0 : i32
    return %arg0, %c0_i32 : i32, i32
  }
  func.func @transform_3(%arg0: i32) -> (i32, i32) {
    %c0_i32 = arith.constant 0 : i32
    %c0_i32_0 = arith.constant 0 : i32
    %c0_i32_1 = arith.constant 0 : i32
    return %c0_i32, %c0_i32_0 : i32, i32
  }
  func.func @transform_4(%arg0: i32) -> (i32, i32) {
    %c0_i32 = arith.constant 0 : i32
    %c0_i32_0 = arith.constant 0 : i32
    %c0_i32_1 = arith.constant 0 : i32
    return %c0_i32, %c0_i32_0 : i32, i32
  }
  func.func @transform_5(%arg0: i32) -> (i32, i32) {
    %c0_i32 = arith.constant 0 : i32
    %c0_i32_0 = arith.constant 0 : i32
    return %arg0, %c0_i32 : i32, i32
  }
}

module attributes {stable_mosaic.version = 14 : i64} {
  func.func @_tc3_body(%arg0: i32, %arg1: memref<2x1024x128xf32, #tpu.memory_space<vmem>>, %arg2: memref<1024x128xf32, #tpu.memory_space<vmem>>, %arg3: memref<1024x1xf32, #tpu.memory_space<vmem>>, %arg4: memref<1024x128xf32, #tpu.memory_space<vmem>>, %arg5: memref<1024x128xf32, #tpu.memory_space<vmem>>) attributes {dimension_semantics = [#tpu.dimension_semantics<arbitrary>], iteration_bounds = array<i64: 10>, scalar_prefetch = 0 : i64, scratch_operands = 0 : i64, tpu.core_type = #tpu.core_type<tc>, window_params = [{transform_indices = @transform_0, window_bounds = array<i64: 2, 1024, 128>}, {transform_indices = @transform_1, window_bounds = array<i64: 1024, 128>}, {transform_indices = @transform_2, window_bounds = array<i64: 1024, 1>}, {transform_indices = @transform_3, window_bounds = array<i64: 1024, 128>}, {transform_indices = @transform_4, window_bounds = array<i64: 1024, 128>}]} {
    %get3A = arith.constant 0 : index
    %get3A_0 = arith.constant 0 : index
    %get3A_1 = arith.constant 0 : index
    %get3A_2 = vector.load %arg1[%get3A, %get3A_0, %get3A_1] : memref<2x1024x128xf32, #tpu.memory_space<vmem>>, vector<1x1024x128xf32>
    %get3A_3 = vector.shape_cast %get3A_2 : vector<1x1024x128xf32> to vector<1024x128xf32>
    %get3A_4 = arith.constant 1 : index
    %get3A_5 = arith.constant 0 : index
    %get3A_6 = arith.constant 0 : index
    %get3A_7 = vector.load %arg1[%get3A_4, %get3A_5, %get3A_6] : memref<2x1024x128xf32, #tpu.memory_space<vmem>>, vector<1x1024x128xf32>
    %get3A_8 = vector.shape_cast %get3A_7 : vector<1x1024x128xf32> to vector<1024x128xf32>
    %add3A = arith.addf %get3A_3, %get3A_8 : vector<1024x128xf32>
    %get3A_9 = arith.constant 0 : index
    %get3A_10 = arith.constant 0 : index
    %get3A_11 = vector.load %arg2[%get3A_9, %get3A_10] : memref<1024x128xf32, #tpu.memory_space<vmem>>, vector<1024x128xf32>
    %add3A_12 = arith.addf %add3A, %get3A_11 : vector<1024x128xf32>
    %get3A_13 = arith.constant 0 : index
    %get3A_14 = arith.constant 0 : index
    %get3A_15 = vector.load %arg3[%get3A_13, %get3A_14] : memref<1024x1xf32, #tpu.memory_space<vmem>>, vector<1024x1xf32>
    %mul3A = vector.broadcast %get3A_15 : vector<1024x1xf32> to vector<1024x128xf32>
    %mul3A_16 = arith.mulf %mul3A, %add3A_12 : vector<1024x128xf32>
    %max3A = arith.constant 0.000000e+00 : f32
    %max3A_17 = vector.broadcast %max3A : f32 to vector<1024x128xf32>
    %max3A_18 = arith.maximumf %mul3A_16, %max3A_17 : vector<1024x128xf32>
    %get3A_19 = arith.constant 0 : index
    %get3A_20 = arith.constant 0 : index
    %get3A_21 = vector.load %arg4[%get3A_19, %get3A_20] : memref<1024x128xf32, #tpu.memory_space<vmem>>, vector<1024x128xf32>
    %add3A_22 = arith.addf %max3A_18, %get3A_21 : vector<1024x128xf32>
    %max3A_23 = arith.constant 0.000000e+00 : f32
    %max3A_24 = vector.broadcast %max3A_23 : f32 to vector<1024x128xf32>
    %max3A_25 = arith.maximumf %add3A_22, %max3A_24 : vector<1024x128xf32>
    %swap3A = arith.constant 0 : index
    %swap3A_26 = arith.constant 0 : index
    %swap3A_27 = vector.load %arg5[%swap3A, %swap3A_26] : memref<1024x128xf32, #tpu.memory_space<vmem>>, vector<1024x128xf32>
    tpu.vector_store %arg5[%swap3A, %swap3A_26], %max3A_25 {strides = array<i32>} : memref<1024x128xf32, #tpu.memory_space<vmem>>, vector<1024x128xf32>,
    return
  }
  func.func @transform_0(%arg0: i32) -> (i32, i32, i32) {
    %c0_i32 = arith.constant 0 : i32
    %c0_i32_0 = arith.constant 0 : i32
    %c0_i32_1 = arith.constant 0 : i32
    return %c0_i32, %arg0, %c0_i32_0 : i32, i32, i32
  }
  func.func @transform_1(%arg0: i32) -> (i32, i32) {
    %c0_i32 = arith.constant 0 : i32
    %c0_i32_0 = arith.constant 0 : i32
    return %arg0, %c0_i32 : i32, i32
  }
  func.func @transform_2(%arg0: i32) -> (i32, i32) {
    %c0_i32 = arith.constant 0 : i32
    %c0_i32_0 = arith.constant 0 : i32
    return %arg0, %c0_i32 : i32, i32
  }
  func.func @transform_3(%arg0: i32) -> (i32, i32) {
    %c0_i32 = arith.constant 0 : i32
    %c0_i32_0 = arith.constant 0 : i32
    return %arg0, %c0_i32 : i32, i32
  }
  func.func @transform_4(%arg0: i32) -> (i32, i32) {
    %c0_i32 = arith.constant 0 : i32
    %c0_i32_0 = arith.constant 0 : i32
    return %arg0, %c0_i32 : i32, i32
  }
}

</mosaic_0001>

<sc_bundles>
// kernel: kernel.11.cloned.1.call-start
scs
__scs_entry_jumppad:
0x0: {  	(pc) =	sbr.rel $0x88, $3  }
0x1: {  	(tag) =	ssettag $0x0;
	lr =	simm.s32 $0x1  }
0x2: {  	[smem:$0x3F9B] =	sst lr;
	_ =	strace $0xD0000000  }
0x3: {  	_ = 	snop  }
0x4: {  	_ = 	snop  }
0x5: {  	_ = 	snop  }
0x6: {  	_ = 	snop  }
0x7: {  	_ = 	snop  }
__scs_overlays_trampoline_lowered:
0x8: {  	[smem:$0x3FAA] =	sst s0  }
0x9: {  	[smem:$0x3FAB] =	sst s1  }
0xa: {  	[smem:$0x3FAC] =	sst s2  }
0xb: {  	[smem:$0x3FAD] =	sst s3  }
0xc: {  	[smem:$0x3FAE] =	sst s4  }
0xd: {  	[smem:$0x3FAF] =	sst s5  }
0xe: {  	[smem:$0x3FB0] =	sst s6  }
0xf: {  	[smem:$0x3FB1] =	sst s7  }
0x10: {  	[smem:$0x3FB2] =	sst s8  }
0x11: {  	[smem:$0x3FB3] =	sst s9;
	s0 =	simm.s32 @!p0 $0x0  }
0x12: {  	s1 =	sld [smem:$0x3F99];
	s0 =	simm.s32 @p0 $0x1  }
0x13: {  	[smem:$0x3FB4] =	sst s0;
	s0 =	simm.s32 @!p1 $0x0  }
0x14: {  	s2 =	sld [smem:$0x3F98];
	s0 =	simm.s32 @p1 $0x1  }
0x15: {  	[smem:$0x3FB5] =	sst s0;
	s0 =	simm.s32 @!p2 $0x0  }
0x16: {  	s3 =	sld [smem:$0x3FDB];
	s0 =	simm.s32 @p2 $0x1  }
0x17: {  	s4 =	simm.s32 $0x1BF5;
	[smem:$0x3FB7] =	sst s0  }
0x18: {  	s0 =	sld [smem:$0x3F9A];
	_ =	swait.ge [sflag:s4], $0x0  }
0x19: {  	s7 =	sld [smem:$0x3F9B]  }
0x1a: {  	s8 =	sadd.s32 $0xFFFFE003, lr  }
0x1b: {  	s9 =	sadd.s32 $0xFFFFFEF7, lr;
	s5 =	simm.s32 $0xFFFFFFFF;
	p2 =	slt.u32 s8, $0xFFFFF086  }
0x1c: {  	p1 =	slt.u32 s9, $0xF7A;
	s5 =	simm.s32 @!p2 $0x0  }
0x1d: {  	s5 =	simm.s32 @p1 $0x1;
	p0 =	seq.s32 s7, s2  }
0x1e: {  	s7 =	smul.u32 @!p0 $0xF7A, s2;
	p2 =	seq.s32 @!p0 s5, $0x0  }
0x1f: {  	s9 =	smul.u32 $0xF7A, s1;
	s8 =	simm.s32 @!p0 $0x1BF5;
	p2 =	por !p2, p0  }
0x20: {  	[sflag:s8] =	ssyncset.s32 @!p0 $0xFFFFF086;
	s6 =	sadd.s32 @!p0 s3, s7;
	s7 =	simm.s32 @!p0 $0x108  }
0x21: {  	s3 =	sadd.s32 s3, s9;
	s6 =	sadd.s32 @!p0 $0x88, s6;
	s7 =	simm.s32 @p2 $0x1082  }
0x22: {  	[simem:s7], [sflag:s8] =	dma.local @!p0 [hbm:s6], $0xF7A  }
0x23: {  	s9 =	sor.u32 $0xD0000000, s2;
	s6 =	simm.s32 $0x108;
	_ =	swait.ge @!p0 [sflag:s8], $0x0  }
0x24: {  	s3 =	sadd.s32 $0x88, s3;
	s6 =	simm.s32 @!p1 $0x1082;
	[sflag:s4] =	ssyncset.s32 $0xFFFFF086  }
0x25: {  	[simem:s6], [sflag:s4] =	dma.local [hbm:s3], $0xF7A  }
0x26: {  	[smem:$0x3F9B] =	sst s1;
	(tag) =	ssettag s2;
	_ =	strace s9  }
0x27: {  	s1 =	sld [smem:$0x3FAB]  }
0x28: {  	s2 =	sld [smem:$0x3FAC]  }
0x29: {  	s4 =	sld [smem:$0x3FAE]  }
0x2a: {  	p0 =	seq.s32 s5, $0x0;
	s5 =	sld [smem:$0x3FAF]  }
0x2b: {  	s6 =	sld [smem:$0x3FB0]  }
0x2c: {  	s7 =	sld [smem:$0x3FB1]  }
0x2d: {  	s3 =	simm.s32 $0x108;
	s8 =	sld [smem:$0x3FB2]  }
0x2e: {  	s3 =	simm.s32 @!p0 $0x1082;
	s9 =	sld [smem:$0x3FB3]  }
0x2f: {  	lr =	sadd.s32 s0, s3;
	s0 =	sld [smem:$0x3FAA]  }
0x30: {  	s3 =	sld [smem:$0x3FAD]  }
0x31: {  	[smem:$0x3FB6] =	sst s10  }
0x32: {  	s10 =	sld [smem:$0x3FB4];
	_ =	sdelay $0x3  }
0x33: {  	p0 =	seq.s32 s10, $0x1;
	s10 =	sld [smem:$0x3FB6];
	_ =	sdelay $0x3  }
0x34: {  	[smem:$0x3FB6] =	sst s10  }
0x35: {  	s10 =	sld [smem:$0x3FB5];
	_ =	sdelay $0x3  }
0x36: {  	p1 =	seq.s32 s10, $0x1;
	s10 =	sld [smem:$0x3FB6];
	_ =	sdelay $0x3  }
0x37: {  	[smem:$0x3FB6] =	sst s10  }
0x38: {  	s10 =	sld [smem:$0x3FB7]  }
0x39: {  	_ = 	snop;
	(pc) =	sbr.ind lr, $3  }
0x3a: {  	_ = 	snop  }
0x3b: {  	_ = 	snop  }
0x3c: {  	p2 =	seq.s32 s10, $0x1;
	s10 =	sld [smem:$0x3FB6]  }
0x3d: {  	_ =	shalt  }
0x3e: {  	_ =	shalt  }
0x3f: {  	_ =	shalt  }
0x40: {  	_ =	shalt  }
0x41: {  	_ =	shalt  }
0x42: {  	_ =	shalt  }
0x43: {  	_ =	shalt  }
0x44: {  	_ =	shalt  }
0x45: {  	_ =	shalt  }
0x46: {  	_ =	shalt  }
0x47: {  	_ =	shalt  }
0x48: {  	_ =	shalt  }
0x49: {  	_ =	shalt  }
0x4a: {  	_ =	shalt  }
0x4b: {  	_ =	shalt  }
0x4c: {  	_ =	shalt  }
0x4d: {  	_ =	shalt  }
0x4e: {  	_ =	shalt  }
0x4f: {  	_ =	shalt  }
0x50: {  	_ =	shalt  }
0x51: {  	_ =	shalt  }
0x52: {  	_ =	shalt  }
0x53: {  	_ =	shalt  }
0x54: {  	_ =	shalt  }
0x55: {  	_ =	shalt  }
0x56: {  	_ =	shalt  }
0x57: {  	_ =	shalt  }
0x58: {  	_ =	shalt  }
0x59: {  	_ =	shalt  }
0x5a: {  	_ =	shalt  }
0x5b: {  	_ =	shalt  }
0x5c: {  	_ =	shalt  }
0x5d: {  	_ =	shalt  }
0x5e: {  	_ =	shalt  }
0x5f: {  	_ =	shalt  }
0x60: {  	_ =	shalt  }
0x61: {  	_ =	shalt  }
0x62: {  	_ =	shalt  }
0x63: {  	_ =	shalt  }
0x64: {  	_ =	shalt  }
0x65: {  	_ =	shalt  }
0x66: {  	_ =	shalt  }
0x67: {  	_ =	shalt  }
0x68: {  	_ =	shalt  }
0x69: {  	_ =	shalt  }
0x6a: {  	_ =	shalt  }
0x6b: {  	_ =	shalt  }
0x6c: {  	_ =	shalt  }
0x6d: {  	_ =	shalt  }
0x6e: {  	_ =	shalt  }
0x6f: {  	_ =	shalt  }
0x70: {  	_ =	shalt  }
0x71: {  	_ =	shalt  }
0x72: {  	_ =	shalt  }
0x73: {  	_ =	shalt  }
0x74: {  	_ =	shalt  }
0x75: {  	_ =	shalt  }
0x76: {  	_ =	shalt  }
0x77: {  	_ =	shalt  }
0x78: {  	_ =	shalt  }
0x79: {  	_ =	shalt  }
0x7a: {  	_ =	shalt  }
0x7b: {  	_ =	shalt  }
0x7c: {  	_ =	shalt  }
0x7d: {  	_ =	shalt  }
0x7e: {  	_ =	shalt  }
0x7f: {  	_ =	shalt  }
0x80: {  	_ =	shalt  }
0x81: {  	_ =	shalt  }
0x82: {  	_ =	shalt  }
0x83: {  	_ =	shalt  }
0x84: {  	_ =	shalt  }
0x85: {  	_ =	shalt  }
0x86: {  	_ =	shalt  }
0x87: {  	_ =	shalt  }
.Lfunc_end0:
.L_simem_size_0:
called_computation.1_lowered:
.L_overlay_start_0:
0x88: {  	s2 =	sld [smem:$0x3FD9]  }
0x89: {  	s3 =	sld [smem:$0x3FFE];
	_ =	sdelay $0x1  }
0x8a: {  	s1 =	srdreg.scid  }
0x8b: {  	s0 =	sand.u32 $0x1, s1  }
0x8c: {  	s17 =	sshll.u32 s0, $0xA;
	s2 =	sadd.s32 s3, s2  }
0x8d: {  	s2 =	sadd.s32 s2, s17  }
0x8e: {  	[smem:$0x3FC2] =	sst s2  }
0x8f: {  	_ = 	snop  }
0x90: {  	s2 =	sld [smem:$0x3FD0];
	(tm) =	ssettm $0x1  }
0x91: {  	s18 =	sld [smem:$0x3FFB];
	_ =	sdelay $0x3  }
0x92: {  	_ =	strace s18  }
0x93: {  	s3 =	sld [smem:$0x3FFC];
	_ =	sdelay $0x3  }
0x94: {  	_ =	strace s3  }
0x95: {  	s3 =	sld [smem:$0x3FFD];
	_ =	sdelay $0x3  }
0x96: {  	_ =	strace s3  }
0x97: {  	_ =	strace $0x8FFFFFFF  }
0x98: {  	s19 =	sld [smem:$0x3FDB];
	_ =	sdelay $0x1  }
0x99: {  	s4 =	simm.s32 $_scs_section_size  }
0x9a: {  	s5 =	simm.s32 $_size__tile_overlayer_lowered;
	s6 =	simm.s32 $_tile_overlayer_lowered  }
0x9b: {  	s22 =	simm.s32 $0x1BFF;
	s21 =	sshll.u32 s6, $0x1;
	s3 =	sadd.s32 s4, s19  }
0x9c: {  	s7 =	simm.s32 $0x0;
	s20 =	sshll.u32 s5, $0x1;
	s5 =	sadd.s32 s21, s3  }
0x9d: {  	[timem:s7], [sflag:s22] =	dma.local [hbm:s5], s20  }
0x9e: {  	_ =	swait.ge [sflag:s22], s20  }
0x9f: {  	s4 =	ssub.s32 $0x0, s20;
	[sflag:s22] =	ssyncset.done $0x0  }
0xa0: {  	[sflag:s22] =	ssyncadd.s32 s4;
	_ =	sdelay $0x1  }
0xa1: {  	s23 =	simm.s32 $0x1B8B  }
0xa2: {  	_ =	swait.ge [sflag:s23], $0x1  }
0xa3: {  	[sflag:s23] =	ssyncset.done $0x0  }
0xa4: {  	s25 =	simm.s32 $0x1B8E;
	s24 =	sld [smem:$0x3FFE];
	[sflag:s23] =	ssyncadd.s32 $0xFFFFFFFF  }
0xa5: {  	s26 =	simm.s32 $execute0_lowered;
	[smem:$0x3FD2] =	sst s25  }
0xa6: {  	s5 =	sshll.u32 s26, $0x1;
	_ =	strace $0x80000049;
	[dreg:$0x1] =	wrdreg $0xFFFFFFFF  }
0xa7: {  	s28 =	simm.s32 $_size_execute0_lowered;
	s3 =	sadd.s32 s3, s5;
	[dreg:$0x0] =	wrdreg $0x0  }
0xa8: {  	s5 =	sshll.u32 s28, $0x1;
	[dreg:$0x2] =	wrdreg s3  }
0xa9: {  	[dreg:$0x3] =	wrdreg s5  }
0xaa: {  	[dreg:$0x4] =	wrdreg $0xC0  }
0xab: {  	_ =	task [dreg:s7], $0x5FFFF  }
0xac: {  	[dreg:$0x1] =	wrdreg $0xFFFFFFFF  }
0xad: {  	[dreg:$0x0] =	wrdreg $0x60  }
0xae: {  	[dreg:$0x2] =	wrdreg s24  }
0xaf: {  	[dreg:$0x3] =	wrdreg s2  }
0xb0: {  	[dreg:$0x4] =	wrdreg $0x90000  }
0xb1: {  	[dreg:$0x5] =	wrdreg $0x9  }
0xb2: {  	_ =	task.clear_ibuf [dreg:s7], $0x6FFFF;
	_ =	strace $0x90000049  }
0xb3: {  	s29 =	simm.s32 $0x9;
	_ =	strace $0x8000004B  }
0xb4: {  	_ =	swait.ge [sflag:s29], $0x1  }
0xb5: {  	[sflag:s29] =	ssyncadd.s32 $0xFFFFFFFF  }
0xb6: {  	_ =	strace $0x9000004B  }
0xb7: {  	_ =	sfence  }
0xb8: {  	s30 =	sld [smem:$0x0];
	_ =	sdelay $0x2  }
0xb9: {  	s31 =	sshll.u32 s1, $0xD;
	s1 =	sshrl.u32 s1, $0x2  }
0xba: {  	s3 =	sand.u32 $0x4000, s31;
	s1 =	sadd.s32 s1, s30  }
0xbb: {  	s0 =	sor.u32 s3, s0;
	s1 =	sshll.u32 s1, $0x11  }
0xbc: {  	s0 =	sor.u32 s1, s0  }
0xbd: {  	s0 =	sadd.s32 $0x8F2B, s0  }
0xbe: {  	[sflag:s0] =	ssyncadd.remote.s32 $0x1  }
0xbf: {  	_ =	sfence.sel $0xFFFF  }
0xc0: {  	[dreg:$0x0] =	wrdreg $0xFFFFFFFF;
	(pc) =	sbr.abs _section_cstart, $3  }
0xc1: {  	[dreg:$0x1] =	wrdreg $0xFFFFFFFF  }
0xc2: {  	_ =	task.clear_ibuf [dreg:s7], $0x2FFFF;
	_ =	strace $0x9FFFFFFF  }
0xc3: {  	(tm) =	ssettm $0x7FFFFFFF  }
tec
execute0_lowered:
.L_overlay_start_1:
0x0: {  	(tag) =	ssettag $0x1  }
0x1: {  	s7 =	rddreg [dreg:$0x0]  }
0x2: {  	s8 =	rddreg [dreg:$0x1]  }
0x3: {  	s0 =	srdreg.scid;
	s2 =	rddreg [dreg:$0x2]  }
0x4: {  	s3 =	simm.s32 $0x0;
	s15 =	simm.s32 $0x5000;
	s16 =	simm.s32 $0x1  }
0x5: {  	s17 =	simm.s32 $0x4F80;
	s6 =	sand.u32 $0x1, s0;
	s0 =	stileid.u32  }
0x6: {  	s18 =	simm.s32 $0x0;
	[smem:$0x7FF] =	sst s3;
	s5 =	smul.u32 $0x2800, s0  }
0x7: {  	s4 =	sadd.s32 $0x4E00, s7;
	s1 =	sshll.u32 s6, $0x4;
	s10 =	smul.u32 $0x28000, s6  }
0x8: {  	s12 =	smul.u32 $0x50000, s0;
	s6 =	ssub.s32 $0x2, s6;
	s1 =	sor.u32 s0, s1  }
0x9: {  	s13 =	sshll.u32 s0, $0x6;
	s31 =	sshrl.u32 s6, $0x1;
	s9 =	smul.u32 $0x500, s1  }
0xa: {  	s1 =	rddreg [dreg:$0x3];
	_ =	strace $0x8000004A;
	s10 =	sadd.s32 s5, s10  }
0xb: {  	s5 =	sadd.s32 $0x2600, s7;
	s12 =	sshrl.u32 s12, $0x2;
	s14 =	ssub.s32 s6, s31  }
0xc: {  	s6 =	sor.u32 $0x1C02, s13;
	s13 =	simm.s32 $0x2800;
	s10 =	sadd.s32 s10, s7  }
0xd: {  	s12 =	sadd.s32 s12, s2;
	s11 =	sadd.s32 s9, s7;
	s8 =	sadd.s32 s8, s9  }
0xe: {  	s9 =	sadd.s32 $0x5EE00, s10;
	s10 =	smax.u32 s14, $0x1;
	s14 =	simm.s32 $0x7D  }
0xf: {  	s7 =	sadd.s32 $0x54E00, s11;
	s11 =	sshrl.u32 s12, $0x3;
	s12 =	simm.s32 $0x2  }
.LBB2_1:
0x10: {  	[spmem:s11], [sflag:s6] =	dma.local [hbm:s5], $0x2800  }
0x11: {  	_ =	swait.ge [sflag:s12], $0x2800  }
0x12: {  	[sflag:s12] =	ssyncset.done $0x0  }
0x13: {  	[sflag:s12] =	ssyncadd.s32 $0xFFFFD800  }
0x14: {  	[tilespmem:s3], [sflag:$0x2] =	stream.linear.gather [hbm4b:s7+s3], $0x2800, $0x38;
	[tilespmem:$0x1D000] =	vst v63  }
0x15: {  	_ =	swait.ge [sflag:s12], $0x2800  }
0x16: {  	[sflag:s12] =	ssyncset.done $0x0  }
0x17: {  	[sflag:s12] =	ssyncadd.s32 $0xFFFFD800  }
0x18: {  	[tilespmem:s13], [sflag:$0x2] =	stream.linear.gather [hbm4b:s8+s3], $0x2800, $0x38;
	[tilespmem:$0x1D000] =	vst v63  }
0x19: {  	_ =	swait.ge [sflag:s12], $0x2800  }
0x1a: {  	[sflag:s12] =	ssyncset.done $0x0  }
0x1b: {  	[sflag:s12] =	ssyncadd.s32 $0xFFFFD800  }
0x1c: {  	[bflag:$0x0] =	sbarrier.arrive $0xFFFF  }
0x1d: {  	[tilespmem:s15], [sflag:$0x1] =	stream.indirect.gather [hbm4b:s4+s14], $0x80, s3, s14, $0xb8;
	[tilespmem:$0x1D000] =	vst v63  }
0x1e: {  	_ =	swait.ge [sflag:s16], $0x3E80  }
0x1f: {  	[sflag:s16] =	ssyncset.done $0x0  }
0x20: {  	s19 =	simm.s32 $0x2800;
	[sflag:s16] =	ssyncadd.s32 $0xFFFFC180  }
0x21: {  	[spmem:s2] =	stream.indirect.scatter.add.f32 [tilespmem:s15], [sflag:$0x2], $0x80, s19, s14, $0xb8;
	[tilespmem:$0x1D000] =	vst v63  }
0x22: {  	_ =	swait.ge [sflag:s12], $0x3E80  }
0x23: {  	[sflag:s12] =	ssyncset.done $0x0  }
0x24: {  	s20 =	simm.s32 $0x80;
	s19 =	simm.s32 $0x200;
	[sflag:s12] =	ssyncadd.s32 $0xFFFFC180  }
.LBB2_2:
0x25: {  	[tilespmem:s15], [sflag:$0x1] =	stream.indirect.gather [hbm4b:s4+s14], $0x80, s20, s14, $0xb8;
	[tilespmem:$0x1D000] =	vst v63  }
0x26: {  	s20 =	smov.u32 s19  }
0x27: {  	p0 =	sne.s32 s19, $0x9C00;
	s19 =	sadd.s32 $0x200, s19;
	_ =	swait.ge [sflag:s16], $0x3E80  }
0x28: {  	s20 =	sshra.s32 s20, $0x2;
	[sflag:s16] =	ssyncset.done $0x0  }
.Ltmp0:
0x29: {  	s21 =	sadd.s32 $0x2800, s20;
	[sflag:s16] =	ssyncadd.s32 $0xFFFFC180;
	(pc) =	sbr.rel @p0 .LBB2_2-.Ltmp0, $4  }
0x2a: {  	[spmem:s2] =	stream.indirect.scatter.add.f32 [tilespmem:s15], [sflag:$0x2], $0x80, s21, s14, $0xb8;
	[tilespmem:$0x1D000] =	vst v63  }
0x2b: {  	_ =	swait.ge [sflag:s12], $0x3E80  }
0x2c: {  	[sflag:s12] =	ssyncset.done $0x0  }
0x2d: {  	s20 =	sadd.s32 $0x80, s20;
	[sflag:s12] =	ssyncadd.s32 $0xFFFFC180  }
0x2e: {  	[tilespmem:s15], [sflag:$0x1] =	stream.indirect.gather [hbm4b:s4+s14], $0x80, s20, s14, $0xb8;
	[tilespmem:$0x1D000] =	vst v63  }
0x2f: {  	_ =	swait.ge [sflag:s16], $0x3E80  }
0x30: {  	[sflag:s16] =	ssyncset.done $0x0  }
0x31: {  	[sflag:s16] =	ssyncadd.s32 $0xFFFFC180  }
0x32: {  	[spmem:s2] =	stream.indirect.scatter.add.f32 [tilespmem:s15], [sflag:$0x2], $0x80, s17, s14, $0xb8;
	[tilespmem:$0x1D000] =	vst v63  }
0x33: {  	_ =	swait.ge [sflag:s12], $0x3E80  }
0x34: {  	s18 =	sadd.s32 $0x1, s18;
	[sflag:s12] =	ssyncset.done $0x0  }
0x35: {  	p0 =	sne.s32 s18, s10;
	[sflag:s12] =	ssyncadd.s32 $0xFFFFC180  }
.Ltmp1:
0x36: {  	[bflag:$0x0] =	sbarrier.arrive $0xFFFF;
	(pc) =	sbr.rel @p0 .LBB2_1-.Ltmp1, $4  }
0x37: {  	[hbm:s9], [sflag:s6] =	dma.local [spmem:s11], $0x2800  }
0x38: {  	_ =	swait.ge [sflag:s12], $0x2800  }
0x39: {  	[sflag:s12] =	ssyncset.done $0x0  }
0x3a: {  	[sflag:s12] =	ssyncadd.s32 $0xFFFFD800  }
0x3b: {  	_ =	sfence.sel $0x180000  }
0x3c: {  	[bflag:$0x0] =	sbarrier.arrive $0xFFFF  }
0x3d: {  	p0 =	sne.s32 s0, $0x0;
	_ =	strace $0x9000004A  }
0x3e: {  	s0 =	sadd.s32 @!p0 $0x100000, s1;
	[bflag:$0x2] =	sbarrier.arrive $0xFFFF  }
0x3f: {  	[sflag:s0] =	ssyncadd.tile.s32 @!p0 $0x1;
	_ =	shalt  }
.Lfunc_end2:
_tile_overlayer_lowered:
.L_overlay_start_2:
0x40: {  	(tag) =	ssettag $0x2  }
0x41: {  	s0 =	rddreg [dreg:$0x0];
	s2 =	stileid.u32  }
0x42: {  	s1 =	rddreg [dreg:$0x1];
	p0 =	sne.s32 s2, $0x0  }
0x43: {  	s3 =	rddreg [dreg:$0x2];
	[bflag:$0x3] =	sbarrier.arrive $0xFFFF;
	s2 =	simm.s32 @!p0 $0x1C02  }
0x44: {  	[timem:s3], [sflag:s2] =	dma.local @!p0 [hbm:s0], s1  }
0x45: {  	s0 =	simm.s32 @!p0 $0x2  }
0x46: {  	_ =	swait.ge @!p0 [sflag:s0], s1  }
0x47: {  	s1 =	ssub.s32 @!p0 $0x0, s1;
	[sflag:s0] =	ssyncset.done @!p0 $0x0  }
0x48: {  	[sflag:s0] =	ssyncadd.s32 @!p0 s1  }
0x49: {  	[bflag:$0x3] =	sbarrier.arrive $0xFFFF  }
0x4a: {  	_ =	shalt  }

// kernel: kernel.14.cloned.1.call-start
scs
__scs_entry_jumppad:
0x0: {  	(pc) =	sbr.rel $0x88, $3  }
0x1: {  	(tag) =	ssettag $0x0;
	lr =	simm.s32 $0x1  }
0x2: {  	[smem:$0x3F9B] =	sst lr;
	_ =	strace $0xD0000000  }
0x3: {  	_ = 	snop  }
0x4: {  	_ = 	snop  }
0x5: {  	_ = 	snop  }
0x6: {  	_ = 	snop  }
0x7: {  	_ = 	snop  }
__scs_overlays_trampoline_lowered:
0x8: {  	[smem:$0x3FAA] =	sst s0  }
0x9: {  	[smem:$0x3FAB] =	sst s1  }
0xa: {  	[smem:$0x3FAC] =	sst s2  }
0xb: {  	[smem:$0x3FAD] =	sst s3  }
0xc: {  	[smem:$0x3FAE] =	sst s4  }
0xd: {  	[smem:$0x3FAF] =	sst s5  }
0xe: {  	[smem:$0x3FB0] =	sst s6  }
0xf: {  	[smem:$0x3FB1] =	sst s7  }
0x10: {  	[smem:$0x3FB2] =	sst s8  }
0x11: {  	[smem:$0x3FB3] =	sst s9;
	s0 =	simm.s32 @!p0 $0x0  }
0x12: {  	s1 =	sld [smem:$0x3F99];
	s0 =	simm.s32 @p0 $0x1  }
0x13: {  	[smem:$0x3FB4] =	sst s0;
	s0 =	simm.s32 @!p1 $0x0  }
0x14: {  	s2 =	sld [smem:$0x3F98];
	s0 =	simm.s32 @p1 $0x1  }
0x15: {  	[smem:$0x3FB5] =	sst s0;
	s0 =	simm.s32 @!p2 $0x0  }
0x16: {  	s3 =	sld [smem:$0x3FDB];
	s0 =	simm.s32 @p2 $0x1  }
0x17: {  	s4 =	simm.s32 $0x1BF5;
	[smem:$0x3FB7] =	sst s0  }
0x18: {  	s0 =	sld [smem:$0x3F9A];
	_ =	swait.ge [sflag:s4], $0x0  }
0x19: {  	s7 =	sld [smem:$0x3F9B]  }
0x1a: {  	s8 =	sadd.s32 $0xFFFFE003, lr  }
0x1b: {  	s9 =	sadd.s32 $0xFFFFFEF7, lr;
	s5 =	simm.s32 $0xFFFFFFFF;
	p2 =	slt.u32 s8, $0xFFFFF086  }
0x1c: {  	p1 =	slt.u32 s9, $0xF7A;
	s5 =	simm.s32 @!p2 $0x0  }
0x1d: {  	s5 =	simm.s32 @p1 $0x1;
	p0 =	seq.s32 s7, s2  }
0x1e: {  	s7 =	smul.u32 @!p0 $0xF7A, s2;
	p2 =	seq.s32 @!p0 s5, $0x0  }
0x1f: {  	s9 =	smul.u32 $0xF7A, s1;
	s8 =	simm.s32 @!p0 $0x1BF5;
	p2 =	por !p2, p0  }
0x20: {  	[sflag:s8] =	ssyncset.s32 @!p0 $0xFFFFF086;
	s6 =	sadd.s32 @!p0 s3, s7;
	s7 =	simm.s32 @!p0 $0x108  }
0x21: {  	s3 =	sadd.s32 s3, s9;
	s6 =	sadd.s32 @!p0 $0x88, s6;
	s7 =	simm.s32 @p2 $0x1082  }
0x22: {  	[simem:s7], [sflag:s8] =	dma.local @!p0 [hbm:s6], $0xF7A  }
0x23: {  	s9 =	sor.u32 $0xD0000000, s2;
	s6 =	simm.s32 $0x108;
	_ =	swait.ge @!p0 [sflag:s8], $0x0  }
0x24: {  	s3 =	sadd.s32 $0x88, s3;
	s6 =	simm.s32 @!p1 $0x1082;
	[sflag:s4] =	ssyncset.s32 $0xFFFFF086  }
0x25: {  	[simem:s6], [sflag:s4] =	dma.local [hbm:s3], $0xF7A  }
0x26: {  	[smem:$0x3F9B] =	sst s1;
	(tag) =	ssettag s2;
	_ =	strace s9  }
0x27: {  	s1 =	sld [smem:$0x3FAB]  }
0x28: {  	s2 =	sld [smem:$0x3FAC]  }
0x29: {  	s4 =	sld [smem:$0x3FAE]  }
0x2a: {  	p0 =	seq.s32 s5, $0x0;
	s5 =	sld [smem:$0x3FAF]  }
0x2b: {  	s6 =	sld [smem:$0x3FB0]  }
0x2c: {  	s7 =	sld [smem:$0x3FB1]  }
0x2d: {  	s3 =	simm.s32 $0x108;
	s8 =	sld [smem:$0x3FB2]  }
0x2e: {  	s3 =	simm.s32 @!p0 $0x1082;
	s9 =	sld [smem:$0x3FB3]  }
0x2f: {  	lr =	sadd.s32 s0, s3;
	s0 =	sld [smem:$0x3FAA]  }
0x30: {  	s3 =	sld [smem:$0x3FAD]  }
0x31: {  	[smem:$0x3FB6] =	sst s10  }
0x32: {  	s10 =	sld [smem:$0x3FB4];
	_ =	sdelay $0x3  }
0x33: {  	p0 =	seq.s32 s10, $0x1;
	s10 =	sld [smem:$0x3FB6];
	_ =	sdelay $0x3  }
0x34: {  	[smem:$0x3FB6] =	sst s10  }
0x35: {  	s10 =	sld [smem:$0x3FB5];
	_ =	sdelay $0x3  }
0x36: {  	p1 =	seq.s32 s10, $0x1;
	s10 =	sld [smem:$0x3FB6];
	_ =	sdelay $0x3  }
0x37: {  	[smem:$0x3FB6] =	sst s10  }
0x38: {  	s10 =	sld [smem:$0x3FB7]  }
0x39: {  	_ = 	snop;
	(pc) =	sbr.ind lr, $3  }
0x3a: {  	_ = 	snop  }
0x3b: {  	_ = 	snop  }
0x3c: {  	p2 =	seq.s32 s10, $0x1;
	s10 =	sld [smem:$0x3FB6]  }
0x3d: {  	_ =	shalt  }
0x3e: {  	_ =	shalt  }
0x3f: {  	_ =	shalt  }
0x40: {  	_ =	shalt  }
0x41: {  	_ =	shalt  }
0x42: {  	_ =	shalt  }
0x43: {  	_ =	shalt  }
0x44: {  	_ =	shalt  }
0x45: {  	_ =	shalt  }
0x46: {  	_ =	shalt  }
0x47: {  	_ =	shalt  }
0x48: {  	_ =	shalt  }
0x49: {  	_ =	shalt  }
0x4a: {  	_ =	shalt  }
0x4b: {  	_ =	shalt  }
0x4c: {  	_ =	shalt  }
0x4d: {  	_ =	shalt  }
0x4e: {  	_ =	shalt  }
0x4f: {  	_ =	shalt  }
0x50: {  	_ =	shalt  }
0x51: {  	_ =	shalt  }
0x52: {  	_ =	shalt  }
0x53: {  	_ =	shalt  }
0x54: {  	_ =	shalt  }
0x55: {  	_ =	shalt  }
0x56: {  	_ =	shalt  }
0x57: {  	_ =	shalt  }
0x58: {  	_ =	shalt  }
0x59: {  	_ =	shalt  }
0x5a: {  	_ =	shalt  }
0x5b: {  	_ =	shalt  }
0x5c: {  	_ =	shalt  }
0x5d: {  	_ =	shalt  }
0x5e: {  	_ =	shalt  }
0x5f: {  	_ =	shalt  }
0x60: {  	_ =	shalt  }
0x61: {  	_ =	shalt  }
0x62: {  	_ =	shalt  }
0x63: {  	_ =	shalt  }
0x64: {  	_ =	shalt  }
0x65: {  	_ =	shalt  }
0x66: {  	_ =	shalt  }
0x67: {  	_ =	shalt  }
0x68: {  	_ =	shalt  }
0x69: {  	_ =	shalt  }
0x6a: {  	_ =	shalt  }
0x6b: {  	_ =	shalt  }
0x6c: {  	_ =	shalt  }
0x6d: {  	_ =	shalt  }
0x6e: {  	_ =	shalt  }
0x6f: {  	_ =	shalt  }
0x70: {  	_ =	shalt  }
0x71: {  	_ =	shalt  }
0x72: {  	_ =	shalt  }
0x73: {  	_ =	shalt  }
0x74: {  	_ =	shalt  }
0x75: {  	_ =	shalt  }
0x76: {  	_ =	shalt  }
0x77: {  	_ =	shalt  }
0x78: {  	_ =	shalt  }
0x79: {  	_ =	shalt  }
0x7a: {  	_ =	shalt  }
0x7b: {  	_ =	shalt  }
0x7c: {  	_ =	shalt  }
0x7d: {  	_ =	shalt  }
0x7e: {  	_ =	shalt  }
0x7f: {  	_ =	shalt  }
0x80: {  	_ =	shalt  }
0x81: {  	_ =	shalt  }
0x82: {  	_ =	shalt  }
0x83: {  	_ =	shalt  }
0x84: {  	_ =	shalt  }
0x85: {  	_ =	shalt  }
0x86: {  	_ =	shalt  }
0x87: {  	_ =	shalt  }
.Lfunc_end0:
.L_simem_size_0:
called_computation.2_lowered:
.L_overlay_start_0:
0x88: {  	s2 =	sld [smem:$0x3FD9]  }
0x89: {  	s3 =	sld [smem:$0x3FFE];
	_ =	sdelay $0x1  }
0x8a: {  	s1 =	srdreg.scid  }
0x8b: {  	s0 =	sand.u32 $0x1, s1  }
0x8c: {  	s17 =	sshll.u32 s0, $0xA;
	s2 =	sadd.s32 s3, s2  }
0x8d: {  	s2 =	sadd.s32 s2, s17  }
0x8e: {  	[smem:$0x3FC2] =	sst s2  }
0x8f: {  	_ = 	snop  }
0x90: {  	s2 =	sld [smem:$0x3FD0];
	(tm) =	ssettm $0x1  }
0x91: {  	s18 =	sld [smem:$0x3FFB];
	_ =	sdelay $0x3  }
0x92: {  	_ =	strace s18  }
0x93: {  	s3 =	sld [smem:$0x3FFC];
	_ =	sdelay $0x3  }
0x94: {  	_ =	strace s3  }
0x95: {  	s3 =	sld [smem:$0x3FFD];
	_ =	sdelay $0x3  }
0x96: {  	_ =	strace s3  }
0x97: {  	_ =	strace $0x8FFFFFFF  }
0x98: {  	s19 =	sld [smem:$0x3FDB];
	_ =	sdelay $0x1  }
0x99: {  	s4 =	simm.s32 $_scs_section_size  }
0x9a: {  	s5 =	simm.s32 $_size__tile_overlayer_lowered;
	s6 =	simm.s32 $_tile_overlayer_lowered  }
0x9b: {  	s22 =	simm.s32 $0x1BFF;
	s21 =	sshll.u32 s6, $0x1;
	s3 =	sadd.s32 s4, s19  }
0x9c: {  	s7 =	simm.s32 $0x0;
	s20 =	sshll.u32 s5, $0x1;
	s5 =	sadd.s32 s21, s3  }
0x9d: {  	[timem:s7], [sflag:s22] =	dma.local [hbm:s5], s20  }
0x9e: {  	_ =	swait.ge [sflag:s22], s20  }
0x9f: {  	s4 =	ssub.s32 $0x0, s20;
	[sflag:s22] =	ssyncset.done $0x0  }
0xa0: {  	[sflag:s22] =	ssyncadd.s32 s4;
	_ =	sdelay $0x1  }
0xa1: {  	s23 =	simm.s32 $0x1B8B  }
0xa2: {  	_ =	swait.ge [sflag:s23], $0x1  }
0xa3: {  	[sflag:s23] =	ssyncset.done $0x0  }
0xa4: {  	s25 =	simm.s32 $0x1B8E;
	s24 =	sld [smem:$0x3FFE];
	[sflag:s23] =	ssyncadd.s32 $0xFFFFFFFF  }
0xa5: {  	s26 =	simm.s32 $execute0_lowered;
	[smem:$0x3FD2] =	sst s25  }
0xa6: {  	s5 =	sshll.u32 s26, $0x1;
	_ =	strace $0x8000004C;
	[dreg:$0x1] =	wrdreg $0xFFFFFFFF  }
0xa7: {  	s28 =	simm.s32 $_size_execute0_lowered;
	s3 =	sadd.s32 s3, s5;
	[dreg:$0x0] =	wrdreg $0x0  }
0xa8: {  	s5 =	sshll.u32 s28, $0x1;
	[dreg:$0x2] =	wrdreg s3  }
0xa9: {  	[dreg:$0x3] =	wrdreg s5  }
0xaa: {  	[dreg:$0x4] =	wrdreg $0xC0  }
0xab: {  	_ =	task [dreg:s7], $0x5FFFF  }
0xac: {  	[dreg:$0x1] =	wrdreg $0xFFFFFFFF  }
0xad: {  	[dreg:$0x0] =	wrdreg $0x60  }
0xae: {  	[dreg:$0x2] =	wrdreg s24  }
0xaf: {  	[dreg:$0x3] =	wrdreg s2  }
0xb0: {  	[dreg:$0x4] =	wrdreg $0x90000  }
0xb1: {  	[dreg:$0x5] =	wrdreg $0x9  }
0xb2: {  	_ =	task.clear_ibuf [dreg:s7], $0x6FFFF;
	_ =	strace $0x9000004C  }
0xb3: {  	s29 =	simm.s32 $0x9;
	_ =	strace $0x8000004E  }
0xb4: {  	_ =	swait.ge [sflag:s29], $0x1  }
0xb5: {  	[sflag:s29] =	ssyncadd.s32 $0xFFFFFFFF  }
0xb6: {  	_ =	strace $0x9000004E  }
0xb7: {  	_ =	sfence  }
0xb8: {  	s30 =	sld [smem:$0x0];
	_ =	sdelay $0x2  }
0xb9: {  	s31 =	sshll.u32 s1, $0xD;
	s1 =	sshrl.u32 s1, $0x2  }
0xba: {  	s3 =	sand.u32 $0x4000, s31;
	s1 =	sadd.s32 s1, s30  }
0xbb: {  	s0 =	sor.u32 s3, s0;
	s1 =	sshll.u32 s1, $0x11  }
0xbc: {  	s0 =	sor.u32 s1, s0  }
0xbd: {  	s0 =	sadd.s32 $0x8F2B, s0  }
0xbe: {  	[sflag:s0] =	ssyncadd.remote.s32 $0x1  }
0xbf: {  	_ =	sfence.sel $0xFFFF  }
0xc0: {  	[dreg:$0x0] =	wrdreg $0xFFFFFFFF;
	(pc) =	sbr.abs _section_cstart, $3  }
0xc1: {  	[dreg:$0x1] =	wrdreg $0xFFFFFFFF  }
0xc2: {  	_ =	task.clear_ibuf [dreg:s7], $0x2FFFF;
	_ =	strace $0x9FFFFFFF  }
0xc3: {  	(tm) =	ssettm $0x7FFFFFFF  }
tec
execute0_lowered:
.L_overlay_start_1:
0x0: {  	(tag) =	ssettag $0x1  }
0x1: {  	s7 =	rddreg [dreg:$0x0]  }
0x2: {  	s8 =	rddreg [dreg:$0x1]  }
0x3: {  	s0 =	srdreg.scid;
	s2 =	rddreg [dreg:$0x2]  }
0x4: {  	s3 =	simm.s32 $0x0;
	s15 =	simm.s32 $0x5000;
	s16 =	simm.s32 $0x1  }
0x5: {  	s17 =	simm.s32 $0x4F80;
	s6 =	sand.u32 $0x1, s0;
	s0 =	stileid.u32  }
0x6: {  	s18 =	simm.s32 $0x0;
	[smem:$0x7FF] =	sst s3;
	s5 =	smul.u32 $0x2800, s0  }
0x7: {  	s4 =	sadd.s32 $0x4E00, s7;
	s1 =	sshll.u32 s6, $0x4;
	s10 =	smul.u32 $0x28000, s6  }
0x8: {  	s12 =	smul.u32 $0x50000, s0;
	s6 =	ssub.s32 $0x2, s6;
	s1 =	sor.u32 s0, s1  }
0x9: {  	s13 =	sshll.u32 s0, $0x6;
	s31 =	sshrl.u32 s6, $0x1;
	s9 =	smul.u32 $0x500, s1  }
0xa: {  	s1 =	rddreg [dreg:$0x3];
	_ =	strace $0x8000004D;
	s10 =	sadd.s32 s5, s10  }
0xb: {  	s5 =	sadd.s32 $0x2600, s7;
	s12 =	sshrl.u32 s12, $0x2;
	s14 =	ssub.s32 s6, s31  }
0xc: {  	s6 =	sor.u32 $0x1C02, s13;
	s13 =	simm.s32 $0x2800;
	s10 =	sadd.s32 s10, s7  }
0xd: {  	s12 =	sadd.s32 s12, s2;
	s11 =	sadd.s32 s9, s7;
	s8 =	sadd.s32 s8, s9  }
0xe: {  	s9 =	sadd.s32 $0x5EE00, s10;
	s10 =	smax.u32 s14, $0x1;
	s14 =	simm.s32 $0x7D  }
0xf: {  	s7 =	sadd.s32 $0x54E00, s11;
	s11 =	sshrl.u32 s12, $0x3;
	s12 =	simm.s32 $0x2  }
.LBB2_1:
0x10: {  	[spmem:s11], [sflag:s6] =	dma.local [hbm:s5], $0x2800  }
0x11: {  	_ =	swait.ge [sflag:s12], $0x2800  }
0x12: {  	[sflag:s12] =	ssyncset.done $0x0  }
0x13: {  	[sflag:s12] =	ssyncadd.s32 $0xFFFFD800  }
0x14: {  	[tilespmem:s3], [sflag:$0x2] =	stream.linear.gather [hbm4b:s7+s3], $0x2800, $0x38;
	[tilespmem:$0x1D000] =	vst v63  }
0x15: {  	_ =	swait.ge [sflag:s12], $0x2800  }
0x16: {  	[sflag:s12] =	ssyncset.done $0x0  }
0x17: {  	[sflag:s12] =	ssyncadd.s32 $0xFFFFD800  }
0x18: {  	[tilespmem:s13], [sflag:$0x2] =	stream.linear.gather [hbm4b:s8+s3], $0x2800, $0x38;
	[tilespmem:$0x1D000] =	vst v63  }
0x19: {  	_ =	swait.ge [sflag:s12], $0x2800  }
0x1a: {  	[sflag:s12] =	ssyncset.done $0x0  }
0x1b: {  	[sflag:s12] =	ssyncadd.s32 $0xFFFFD800  }
0x1c: {  	[bflag:$0x0] =	sbarrier.arrive $0xFFFF  }
0x1d: {  	[tilespmem:s15], [sflag:$0x1] =	stream.indirect.gather [hbm4b:s4+s14], $0x80, s3, s14, $0xb8;
	[tilespmem:$0x1D000] =	vst v63  }
0x1e: {  	_ =	swait.ge [sflag:s16], $0x3E80  }
0x1f: {  	[sflag:s16] =	ssyncset.done $0x0  }
0x20: {  	s19 =	simm.s32 $0x2800;
	[sflag:s16] =	ssyncadd.s32 $0xFFFFC180  }
0x21: {  	[spmem:s2] =	stream.indirect.scatter.add.f32 [tilespmem:s15], [sflag:$0x2], $0x80, s19, s14, $0xb8;
	[tilespmem:$0x1D000] =	vst v63  }
0x22: {  	_ =	swait.ge [sflag:s12], $0x3E80  }
0x23: {  	[sflag:s12] =	ssyncset.done $0x0  }
0x24: {  	s20 =	simm.s32 $0x80;
	s19 =	simm.s32 $0x200;
	[sflag:s12] =	ssyncadd.s32 $0xFFFFC180  }
.LBB2_2:
0x25: {  	[tilespmem:s15], [sflag:$0x1] =	stream.indirect.gather [hbm4b:s4+s14], $0x80, s20, s14, $0xb8;
	[tilespmem:$0x1D000] =	vst v63  }
0x26: {  	s20 =	smov.u32 s19  }
0x27: {  	p0 =	sne.s32 s19, $0x9C00;
	s19 =	sadd.s32 $0x200, s19;
	_ =	swait.ge [sflag:s16], $0x3E80  }
0x28: {  	s20 =	sshra.s32 s20, $0x2;
	[sflag:s16] =	ssyncset.done $0x0  }
.Ltmp0:
0x29: {  	s21 =	sadd.s32 $0x2800, s20;
	[sflag:s16] =	ssyncadd.s32 $0xFFFFC180;
	(pc) =	sbr.rel @p0 .LBB2_2-.Ltmp0, $4  }
0x2a: {  	[spmem:s2] =	stream.indirect.scatter.add.f32 [tilespmem:s15], [sflag:$0x2], $0x80, s21, s14, $0xb8;
	[tilespmem:$0x1D000] =	vst v63  }
0x2b: {  	_ =	swait.ge [sflag:s12], $0x3E80  }
0x2c: {  	[sflag:s12] =	ssyncset.done $0x0  }
0x2d: {  	s20 =	sadd.s32 $0x80, s20;
	[sflag:s12] =	ssyncadd.s32 $0xFFFFC180  }
0x2e: {  	[tilespmem:s15], [sflag:$0x1] =	stream.indirect.gather [hbm4b:s4+s14], $0x80, s20, s14, $0xb8;
	[tilespmem:$0x1D000] =	vst v63  }
0x2f: {  	_ =	swait.ge [sflag:s16], $0x3E80  }
0x30: {  	[sflag:s16] =	ssyncset.done $0x0  }
0x31: {  	[sflag:s16] =	ssyncadd.s32 $0xFFFFC180  }
0x32: {  	[spmem:s2] =	stream.indirect.scatter.add.f32 [tilespmem:s15], [sflag:$0x2], $0x80, s17, s14, $0xb8;
	[tilespmem:$0x1D000] =	vst v63  }
0x33: {  	_ =	swait.ge [sflag:s12], $0x3E80  }
0x34: {  	s18 =	sadd.s32 $0x1, s18;
	[sflag:s12] =	ssyncset.done $0x0  }
0x35: {  	p0 =	sne.s32 s18, s10;
	[sflag:s12] =	ssyncadd.s32 $0xFFFFC180  }
.Ltmp1:
0x36: {  	[bflag:$0x0] =	sbarrier.arrive $0xFFFF;
	(pc) =	sbr.rel @p0 .LBB2_1-.Ltmp1, $4  }
0x37: {  	[hbm:s9], [sflag:s6] =	dma.local [spmem:s11], $0x2800  }
0x38: {  	_ =	swait.ge [sflag:s12], $0x2800  }
0x39: {  	[sflag:s12] =	ssyncset.done $0x0  }
0x3a: {  	[sflag:s12] =	ssyncadd.s32 $0xFFFFD800  }
0x3b: {  	_ =	sfence.sel $0x180000  }
0x3c: {  	[bflag:$0x0] =	sbarrier.arrive $0xFFFF  }
0x3d: {  	p0 =	sne.s32 s0, $0x0;
	_ =	strace $0x9000004D  }
0x3e: {  	s0 =	sadd.s32 @!p0 $0x100000, s1;
	[bflag:$0x2] =	sbarrier.arrive $0xFFFF  }
0x3f: {  	[sflag:s0] =	ssyncadd.tile.s32 @!p0 $0x1;
	_ =	shalt  }
.Lfunc_end2:
_tile_overlayer_lowered:
.L_overlay_start_2:
0x40: {  	(tag) =	ssettag $0x2  }
0x41: {  	s0 =	rddreg [dreg:$0x0];
	s2 =	stileid.u32  }
0x42: {  	s1 =	rddreg [dreg:$0x1];
	p0 =	sne.s32 s2, $0x0  }
0x43: {  	s3 =	rddreg [dreg:$0x2];
	[bflag:$0x3] =	sbarrier.arrive $0xFFFF;
	s2 =	simm.s32 @!p0 $0x1C02  }
0x44: {  	[timem:s3], [sflag:s2] =	dma.local @!p0 [hbm:s0], s1  }
0x45: {  	s0 =	simm.s32 @!p0 $0x2  }
0x46: {  	_ =	swait.ge @!p0 [sflag:s0], s1  }
0x47: {  	s1 =	ssub.s32 @!p0 $0x0, s1;
	[sflag:s0] =	ssyncset.done @!p0 $0x0  }
0x48: {  	[sflag:s0] =	ssyncadd.s32 @!p0 s1  }
0x49: {  	[bflag:$0x3] =	sbarrier.arrive $0xFFFF  }
0x4a: {  	_ =	shalt  }

// kernel: kernel.8.cloned.1.call-start
scs
__scs_entry_jumppad:
0x0: {  	(pc) =	sbr.rel $0x88, $3  }
0x1: {  	(tag) =	ssettag $0x0;
	lr =	simm.s32 $0x1  }
0x2: {  	[smem:$0x3F9B] =	sst lr;
	_ =	strace $0xD0000000  }
0x3: {  	_ = 	snop  }
0x4: {  	_ = 	snop  }
0x5: {  	_ = 	snop  }
0x6: {  	_ = 	snop  }
0x7: {  	_ = 	snop  }
__scs_overlays_trampoline_lowered:
0x8: {  	[smem:$0x3FAA] =	sst s0  }
0x9: {  	[smem:$0x3FAB] =	sst s1  }
0xa: {  	[smem:$0x3FAC] =	sst s2  }
0xb: {  	[smem:$0x3FAD] =	sst s3  }
0xc: {  	[smem:$0x3FAE] =	sst s4  }
0xd: {  	[smem:$0x3FAF] =	sst s5  }
0xe: {  	[smem:$0x3FB0] =	sst s6  }
0xf: {  	[smem:$0x3FB1] =	sst s7  }
0x10: {  	[smem:$0x3FB2] =	sst s8  }
0x11: {  	[smem:$0x3FB3] =	sst s9;
	s0 =	simm.s32 @!p0 $0x0  }
0x12: {  	s1 =	sld [smem:$0x3F99];
	s0 =	simm.s32 @p0 $0x1  }
0x13: {  	[smem:$0x3FB4] =	sst s0;
	s0 =	simm.s32 @!p1 $0x0  }
0x14: {  	s2 =	sld [smem:$0x3F98];
	s0 =	simm.s32 @p1 $0x1  }
0x15: {  	[smem:$0x3FB5] =	sst s0;
	s0 =	simm.s32 @!p2 $0x0  }
0x16: {  	s3 =	sld [smem:$0x3FDB];
	s0 =	simm.s32 @p2 $0x1  }
0x17: {  	s4 =	simm.s32 $0x1BF5;
	[smem:$0x3FB7] =	sst s0  }
0x18: {  	s0 =	sld [smem:$0x3F9A];
	_ =	swait.ge [sflag:s4], $0x0  }
0x19: {  	s7 =	sld [smem:$0x3F9B]  }
0x1a: {  	s8 =	sadd.s32 $0xFFFFE003, lr  }
0x1b: {  	s9 =	sadd.s32 $0xFFFFFEF7, lr;
	s5 =	simm.s32 $0xFFFFFFFF;
	p2 =	slt.u32 s8, $0xFFFFF086  }
0x1c: {  	p1 =	slt.u32 s9, $0xF7A;
	s5 =	simm.s32 @!p2 $0x0  }
0x1d: {  	s5 =	simm.s32 @p1 $0x1;
	p0 =	seq.s32 s7, s2  }
0x1e: {  	s7 =	smul.u32 @!p0 $0xF7A, s2;
	p2 =	seq.s32 @!p0 s5, $0x0  }
0x1f: {  	s9 =	smul.u32 $0xF7A, s1;
	s8 =	simm.s32 @!p0 $0x1BF5;
	p2 =	por !p2, p0  }
0x20: {  	[sflag:s8] =	ssyncset.s32 @!p0 $0xFFFFF086;
	s6 =	sadd.s32 @!p0 s3, s7;
	s7 =	simm.s32 @!p0 $0x108  }
0x21: {  	s3 =	sadd.s32 s3, s9;
	s6 =	sadd.s32 @!p0 $0x88, s6;
	s7 =	simm.s32 @p2 $0x1082  }
0x22: {  	[simem:s7], [sflag:s8] =	dma.local @!p0 [hbm:s6], $0xF7A  }
0x23: {  	s9 =	sor.u32 $0xD0000000, s2;
	s6 =	simm.s32 $0x108;
	_ =	swait.ge @!p0 [sflag:s8], $0x0  }
0x24: {  	s3 =	sadd.s32 $0x88, s3;
	s6 =	simm.s32 @!p1 $0x1082;
	[sflag:s4] =	ssyncset.s32 $0xFFFFF086  }
0x25: {  	[simem:s6], [sflag:s4] =	dma.local [hbm:s3], $0xF7A  }
0x26: {  	[smem:$0x3F9B] =	sst s1;
	(tag) =	ssettag s2;
	_ =	strace s9  }
0x27: {  	s1 =	sld [smem:$0x3FAB]  }
0x28: {  	s2 =	sld [smem:$0x3FAC]  }
0x29: {  	s4 =	sld [smem:$0x3FAE]  }
0x2a: {  	p0 =	seq.s32 s5, $0x0;
	s5 =	sld [smem:$0x3FAF]  }
0x2b: {  	s6 =	sld [smem:$0x3FB0]  }
0x2c: {  	s7 =	sld [smem:$0x3FB1]  }
0x2d: {  	s3 =	simm.s32 $0x108;
	s8 =	sld [smem:$0x3FB2]  }
0x2e: {  	s3 =	simm.s32 @!p0 $0x1082;
	s9 =	sld [smem:$0x3FB3]  }
0x2f: {  	lr =	sadd.s32 s0, s3;
	s0 =	sld [smem:$0x3FAA]  }
0x30: {  	s3 =	sld [smem:$0x3FAD]  }
0x31: {  	[smem:$0x3FB6] =	sst s10  }
0x32: {  	s10 =	sld [smem:$0x3FB4];
	_ =	sdelay $0x3  }
0x33: {  	p0 =	seq.s32 s10, $0x1;
	s10 =	sld [smem:$0x3FB6];
	_ =	sdelay $0x3  }
0x34: {  	[smem:$0x3FB6] =	sst s10  }
0x35: {  	s10 =	sld [smem:$0x3FB5];
	_ =	sdelay $0x3  }
0x36: {  	p1 =	seq.s32 s10, $0x1;
	s10 =	sld [smem:$0x3FB6];
	_ =	sdelay $0x3  }
0x37: {  	[smem:$0x3FB6] =	sst s10  }
0x38: {  	s10 =	sld [smem:$0x3FB7]  }
0x39: {  	_ = 	snop;
	(pc) =	sbr.ind lr, $3  }
0x3a: {  	_ = 	snop  }
0x3b: {  	_ = 	snop  }
0x3c: {  	p2 =	seq.s32 s10, $0x1;
	s10 =	sld [smem:$0x3FB6]  }
0x3d: {  	_ =	shalt  }
0x3e: {  	_ =	shalt  }
0x3f: {  	_ =	shalt  }
0x40: {  	_ =	shalt  }
0x41: {  	_ =	shalt  }
0x42: {  	_ =	shalt  }
0x43: {  	_ =	shalt  }
0x44: {  	_ =	shalt  }
0x45: {  	_ =	shalt  }
0x46: {  	_ =	shalt  }
0x47: {  	_ =	shalt  }
0x48: {  	_ =	shalt  }
0x49: {  	_ =	shalt  }
0x4a: {  	_ =	shalt  }
0x4b: {  	_ =	shalt  }
0x4c: {  	_ =	shalt  }
0x4d: {  	_ =	shalt  }
0x4e: {  	_ =	shalt  }
0x4f: {  	_ =	shalt  }
0x50: {  	_ =	shalt  }
0x51: {  	_ =	shalt  }
0x52: {  	_ =	shalt  }
0x53: {  	_ =	shalt  }
0x54: {  	_ =	shalt  }
0x55: {  	_ =	shalt  }
0x56: {  	_ =	shalt  }
0x57: {  	_ =	shalt  }
0x58: {  	_ =	shalt  }
0x59: {  	_ =	shalt  }
0x5a: {  	_ =	shalt  }
0x5b: {  	_ =	shalt  }
0x5c: {  	_ =	shalt  }
0x5d: {  	_ =	shalt  }
0x5e: {  	_ =	shalt  }
0x5f: {  	_ =	shalt  }
0x60: {  	_ =	shalt  }
0x61: {  	_ =	shalt  }
0x62: {  	_ =	shalt  }
0x63: {  	_ =	shalt  }
0x64: {  	_ =	shalt  }
0x65: {  	_ =	shalt  }
0x66: {  	_ =	shalt  }
0x67: {  	_ =	shalt  }
0x68: {  	_ =	shalt  }
0x69: {  	_ =	shalt  }
0x6a: {  	_ =	shalt  }
0x6b: {  	_ =	shalt  }
0x6c: {  	_ =	shalt  }
0x6d: {  	_ =	shalt  }
0x6e: {  	_ =	shalt  }
0x6f: {  	_ =	shalt  }
0x70: {  	_ =	shalt  }
0x71: {  	_ =	shalt  }
0x72: {  	_ =	shalt  }
0x73: {  	_ =	shalt  }
0x74: {  	_ =	shalt  }
0x75: {  	_ =	shalt  }
0x76: {  	_ =	shalt  }
0x77: {  	_ =	shalt  }
0x78: {  	_ =	shalt  }
0x79: {  	_ =	shalt  }
0x7a: {  	_ =	shalt  }
0x7b: {  	_ =	shalt  }
0x7c: {  	_ =	shalt  }
0x7d: {  	_ =	shalt  }
0x7e: {  	_ =	shalt  }
0x7f: {  	_ =	shalt  }
0x80: {  	_ =	shalt  }
0x81: {  	_ =	shalt  }
0x82: {  	_ =	shalt  }
0x83: {  	_ =	shalt  }
0x84: {  	_ =	shalt  }
0x85: {  	_ =	shalt  }
0x86: {  	_ =	shalt  }
0x87: {  	_ =	shalt  }
.Lfunc_end0:
.L_simem_size_0:
called_computation_lowered:
.L_overlay_start_0:
0x88: {  	s2 =	sld [smem:$0x3FD9]  }
0x89: {  	s3 =	sld [smem:$0x3FFE];
	_ =	sdelay $0x1  }
0x8a: {  	s1 =	srdreg.scid  }
0x8b: {  	s0 =	sand.u32 $0x1, s1  }
0x8c: {  	s17 =	sshll.u32 s0, $0xA;
	s2 =	sadd.s32 s3, s2  }
0x8d: {  	s2 =	sadd.s32 s2, s17  }
0x8e: {  	[smem:$0x3FC2] =	sst s2  }
0x8f: {  	_ = 	snop  }
0x90: {  	s2 =	sld [smem:$0x3FD0];
	(tm) =	ssettm $0x1  }
0x91: {  	s18 =	sld [smem:$0x3FFB];
	_ =	sdelay $0x3  }
0x92: {  	_ =	strace s18  }
0x93: {  	s3 =	sld [smem:$0x3FFC];
	_ =	sdelay $0x3  }
0x94: {  	_ =	strace s3  }
0x95: {  	s3 =	sld [smem:$0x3FFD];
	_ =	sdelay $0x3  }
0x96: {  	_ =	strace s3  }
0x97: {  	_ =	strace $0x8FFFFFFF  }
0x98: {  	s19 =	sld [smem:$0x3FDB];
	_ =	sdelay $0x1  }
0x99: {  	s4 =	simm.s32 $_scs_section_size  }
0x9a: {  	s5 =	simm.s32 $_size__tile_overlayer_lowered;
	s6 =	simm.s32 $_tile_overlayer_lowered  }
0x9b: {  	s22 =	simm.s32 $0x1BFF;
	s21 =	sshll.u32 s6, $0x1;
	s3 =	sadd.s32 s4, s19  }
0x9c: {  	s7 =	simm.s32 $0x0;
	s20 =	sshll.u32 s5, $0x1;
	s5 =	sadd.s32 s21, s3  }
0x9d: {  	[timem:s7], [sflag:s22] =	dma.local [hbm:s5], s20  }
0x9e: {  	_ =	swait.ge [sflag:s22], s20  }
0x9f: {  	s4 =	ssub.s32 $0x0, s20;
	[sflag:s22] =	ssyncset.done $0x0  }
0xa0: {  	[sflag:s22] =	ssyncadd.s32 s4;
	_ =	sdelay $0x1  }
0xa1: {  	s23 =	simm.s32 $0x1B8B  }
0xa2: {  	_ =	swait.ge [sflag:s23], $0x1  }
0xa3: {  	[sflag:s23] =	ssyncset.done $0x0  }
0xa4: {  	s25 =	simm.s32 $0x1B8E;
	s24 =	sld [smem:$0x3FFE];
	[sflag:s23] =	ssyncadd.s32 $0xFFFFFFFF  }
0xa5: {  	s26 =	simm.s32 $execute0_lowered;
	[smem:$0x3FD2] =	sst s25  }
0xa6: {  	s5 =	sshll.u32 s26, $0x1;
	_ =	strace $0x80000046;
	[dreg:$0x1] =	wrdreg $0xFFFFFFFF  }
0xa7: {  	s28 =	simm.s32 $_size_execute0_lowered;
	s3 =	sadd.s32 s3, s5;
	[dreg:$0x0] =	wrdreg $0x0  }
0xa8: {  	s5 =	sshll.u32 s28, $0x1;
	[dreg:$0x2] =	wrdreg s3  }
0xa9: {  	[dreg:$0x3] =	wrdreg s5  }
0xaa: {  	[dreg:$0x4] =	wrdreg $0xC0  }
0xab: {  	_ =	task [dreg:s7], $0x5FFFF  }
0xac: {  	[dreg:$0x1] =	wrdreg $0xFFFFFFFF  }
0xad: {  	[dreg:$0x0] =	wrdreg $0x60  }
0xae: {  	[dreg:$0x2] =	wrdreg s2  }
0xaf: {  	[dreg:$0x3] =	wrdreg s24  }
0xb0: {  	[dreg:$0x4] =	wrdreg $0x68000  }
0xb1: {  	[dreg:$0x5] =	wrdreg $0x9  }
0xb2: {  	_ =	task.clear_ibuf [dreg:s7], $0x6FFFF;
	_ =	strace $0x90000046  }
0xb3: {  	s29 =	simm.s32 $0x9;
	_ =	strace $0x80000048  }
0xb4: {  	_ =	swait.ge [sflag:s29], $0x1  }
0xb5: {  	[sflag:s29] =	ssyncadd.s32 $0xFFFFFFFF  }
0xb6: {  	_ =	strace $0x90000048  }
0xb7: {  	_ =	sfence  }
0xb8: {  	s30 =	sld [smem:$0x0];
	_ =	sdelay $0x2  }
0xb9: {  	s31 =	sshll.u32 s1, $0xD;
	s1 =	sshrl.u32 s1, $0x2  }
0xba: {  	s3 =	sand.u32 $0x4000, s31;
	s1 =	sadd.s32 s1, s30  }
0xbb: {  	s0 =	sor.u32 s3, s0;
	s1 =	sshll.u32 s1, $0x11  }
0xbc: {  	s0 =	sor.u32 s1, s0  }
0xbd: {  	s0 =	sadd.s32 $0x8F2B, s0  }
0xbe: {  	[sflag:s0] =	ssyncadd.remote.s32 $0x1  }
0xbf: {  	_ =	sfence.sel $0xFFFF  }
0xc0: {  	[dreg:$0x0] =	wrdreg $0xFFFFFFFF;
	(pc) =	sbr.abs _section_cstart, $3  }
0xc1: {  	[dreg:$0x1] =	wrdreg $0xFFFFFFFF  }
0xc2: {  	_ =	task.clear_ibuf [dreg:s7], $0x2FFFF;
	_ =	strace $0x9FFFFFFF  }
0xc3: {  	(tm) =	ssettm $0x7FFFFFFF  }
tec
execute0_lowered:
.L_overlay_start_1:
0x0: {  	(tag) =	ssettag $0x1  }
0x1: {  	s7 =	rddreg [dreg:$0x0]  }
0x2: {  	s6 =	rddreg [dreg:$0x1]  }
0x3: {  	s2 =	rddreg [dreg:$0x2]  }
0x4: {  	s0 =	rddreg [dreg:$0x3]  }
0x5: {  	s4 =	srdreg.scid;
	s1 =	stileid.u32  }
0x6: {  	s3 =	simm.s32 $0x0;
	s13 =	simm.s32 $0x7D;
	s14 =	simm.s32 $0x80  }
0x7: {  	s15 =	simm.s32 $0x100;
	s16 =	simm.s32 $0x180;
	s17 =	simm.s32 $0x1  }
0x8: {  	s18 =	simm.s32 $0x0;
	s8 =	sand.u32 $0x1, s4;
	s9 =	smul.u32 $0x2800, s1  }
0x9: {  	[smem:$0x7FF] =	sst s3;
	s4 =	sadd.s32 $0x2600, s6;
	s11 =	smul.u32 $0x50000, s1  }
0xa: {  	s5 =	sadd.s32 $0x1E00, s6;
	s12 =	sshll.u32 s1, $0x6;
	s10 =	smul.u32 $0x28000, s8  }
0xb: {  	_ =	strace $0x80000047;
	s30 =	ssub.s32 $0x2, s8;
	s8 =	sshll.u32 s8, $0x4  }
0xc: {  	s31 =	sshrl.u32 s30, $0x1;
	s8 =	sor.u32 s1, s8;
	s11 =	sshrl.u32 s11, $0x2  }
0xd: {  	s9 =	sadd.s32 s9, s10;
	s8 =	smul.u32 $0x500, s8;
	s10 =	ssub.s32 s30, s31  }
0xe: {  	s11 =	sadd.s32 s11, s2;
	s9 =	sadd.s32 s9, s6;
	s6 =	sor.u32 $0x1C02, s12  }
0xf: {  	s12 =	simm.s32 $0x2800;
	s7 =	sadd.s32 s7, s8;
	s8 =	sadd.s32 $0x4E00, s9  }
0x10: {  	s9 =	smax.u32 s10, $0x1;
	s10 =	sshrl.u32 s11, $0x3;
	s11 =	simm.s32 $0x2  }
.LBB2_1:
0x11: {  	[spmem:s10], [sflag:s6] =	dma.local [hbm:s4], $0x2800  }
0x12: {  	_ =	swait.ge [sflag:s11], $0x2800  }
0x13: {  	[sflag:s11] =	ssyncset.done $0x0  }
0x14: {  	[sflag:s11] =	ssyncadd.s32 $0xFFFFD800  }
0x15: {  	[tilespmem:s12], [sflag:$0x2] =	stream.linear.gather [hbm4b:s5+s3], $0x3E80, $0x38;
	[tilespmem:$0x1A800] =	vst v63  }
0x16: {  	_ =	swait.ge [sflag:s11], $0x3E80  }
0x17: {  	[sflag:s11] =	ssyncset.done $0x0  }
0x18: {  	[sflag:s11] =	ssyncadd.s32 $0xFFFFC180  }
0x19: {  	[tilespmem:s3], [sflag:$0x2] =	stream.linear.gather [hbm4b:s7+s3], $0x2800, $0x38;
	[tilespmem:$0x1A800] =	vst v63  }
0x1a: {  	_ =	swait.ge [sflag:s11], $0x2800  }
0x1b: {  	[sflag:s11] =	ssyncset.done $0x0  }
0x1c: {  	[sflag:s11] =	ssyncadd.s32 $0xFFFFD800  }
0x1d: {  	[bflag:$0x0] =	sbarrier.arrive $0xFFFF  }
0x1e: {  	[spmem:s2] =	stream.indirect.scatter.add.f32 [tilespmem:s12], [sflag:$0x1], $0x80, s3, s13, $0xb8;
	[tilespmem:$0x1A800] =	vst v63  }
0x1f: {  	_ = 	snop  }
0x20: {  	[spmem:s2] =	stream.indirect.scatter.add.f32 [tilespmem:s12], [sflag:$0x1], $0x80, s14, s13, $0xb8;
	[tilespmem:$0x1A800] =	vst v63  }
0x21: {  	_ = 	snop  }
0x22: {  	[spmem:s2] =	stream.indirect.scatter.add.f32 [tilespmem:s12], [sflag:$0x1], $0x80, s15, s13, $0xb8;
	[tilespmem:$0x1A800] =	vst v63  }
0x23: {  	_ = 	snop  }
0x24: {  	[spmem:s2] =	stream.indirect.scatter.add.f32 [tilespmem:s12], [sflag:$0x1], $0x80, s16, s13, $0xb8;
	[tilespmem:$0x1A800] =	vst v63  }
0x25: {  	s19 =	simm.s32 $0x200  }
0x26: {  	[spmem:s2] =	stream.indirect.scatter.add.f32 [tilespmem:s12], [sflag:$0x1], $0x80, s19, s13, $0xb8;
	[tilespmem:$0x1A800] =	vst v63  }
0x27: {  	_ =	swait.ge [sflag:s17], $0x3E80  }
0x28: {  	s19 =	simm.s32 $0xA00;
	[sflag:s17] =	ssyncset.done $0x0  }
.LBB2_2:
0x29: {  	s20 =	sshra.s32 s19, $0x2;
	[sflag:s17] =	ssyncadd.s32 $0xFFFFC180;
	p0 =	sne.s32 s19, $0x9E00  }
0x2a: {  	[spmem:s2] =	stream.indirect.scatter.add.f32 [tilespmem:s12], [sflag:$0x1], $0x80, s20, s13, $0xb8;
	[tilespmem:$0x1A800] =	vst v63  }
.Ltmp0:
0x2b: {  	_ = 	snop;
	(pc) =	sbr.rel @p0 .LBB2_2-.Ltmp0, $4  }
0x2c: {  	_ = 	snop  }
0x2d: {  	s19 =	sadd.s32 $0x200, s19  }
0x2e: {  	_ =	swait.ge [sflag:s17], $0x3E80  }
0x2f: {  	[sflag:s17] =	ssyncset.done $0x0  }
0x30: {  	[sflag:s17] =	ssyncadd.s32 $0xFFFFC180  }
0x31: {  	_ =	swait.ge [sflag:s17], $0x3E80  }
0x32: {  	[sflag:s17] =	ssyncset.done $0x0  }
0x33: {  	[sflag:s17] =	ssyncadd.s32 $0xFFFFC180  }
0x34: {  	_ =	swait.ge [sflag:s17], $0x3E80  }
0x35: {  	[sflag:s17] =	ssyncset.done $0x0  }
0x36: {  	[sflag:s17] =	ssyncadd.s32 $0xFFFFC180  }
0x37: {  	_ =	swait.ge [sflag:s17], $0x3E80  }
0x38: {  	[sflag:s17] =	ssyncset.done $0x0  }
0x39: {  	[sflag:s17] =	ssyncadd.s32 $0xFFFFC180  }
0x3a: {  	_ =	swait.ge [sflag:s17], $0x3E80  }
0x3b: {  	s18 =	sadd.s32 $0x1, s18;
	[sflag:s17] =	ssyncset.done $0x0  }
0x3c: {  	p0 =	sne.s32 s18, s9;
	[sflag:s17] =	ssyncadd.s32 $0xFFFFC180  }
.Ltmp1:
0x3d: {  	[bflag:$0x0] =	sbarrier.arrive $0xFFFF;
	(pc) =	sbr.rel @p0 .LBB2_1-.Ltmp1, $4  }
0x3e: {  	[hbm:s8], [sflag:s6] =	dma.local [spmem:s10], $0x2800  }
0x3f: {  	_ =	swait.ge [sflag:s11], $0x2800  }
0x40: {  	[sflag:s11] =	ssyncset.done $0x0  }
0x41: {  	[sflag:s11] =	ssyncadd.s32 $0xFFFFD800  }
0x42: {  	_ =	sfence.sel $0x180000  }
0x43: {  	[bflag:$0x0] =	sbarrier.arrive $0xFFFF  }
0x44: {  	p0 =	sne.s32 s1, $0x0;
	_ =	strace $0x90000047  }
0x45: {  	s0 =	sadd.s32 @!p0 $0x100000, s0;
	[bflag:$0x2] =	sbarrier.arrive $0xFFFF  }
0x46: {  	[sflag:s0] =	ssyncadd.tile.s32 @!p0 $0x1;
	_ =	shalt  }
.Lfunc_end2:
_tile_overlayer_lowered:
.L_overlay_start_2:
0x47: {  	(tag) =	ssettag $0x2  }
0x48: {  	s0 =	rddreg [dreg:$0x0];
	s2 =	stileid.u32  }
0x49: {  	s1 =	rddreg [dreg:$0x1];
	p0 =	sne.s32 s2, $0x0  }
0x4a: {  	s3 =	rddreg [dreg:$0x2];
	[bflag:$0x3] =	sbarrier.arrive $0xFFFF;
	s2 =	simm.s32 @!p0 $0x1C02  }
0x4b: {  	[timem:s3], [sflag:s2] =	dma.local @!p0 [hbm:s0], s1  }
0x4c: {  	s0 =	simm.s32 @!p0 $0x2  }
0x4d: {  	_ =	swait.ge @!p0 [sflag:s0], s1  }
0x4e: {  	s1 =	ssub.s32 @!p0 $0x0, s1;
	[sflag:s0] =	ssyncset.done @!p0 $0x0  }
0x4f: {  	[sflag:s0] =	ssyncadd.s32 @!p0 s1  }
0x50: {  	[bflag:$0x3] =	sbarrier.arrive $0xFFFF  }
0x51: {  	_ =	shalt  }

</sc_bundles>
